<compile_context>
chip_gen: v7x
topology: tpu7x:2x2x1
jax: 0.10.2.dev20260603
libtpu: 0.0.44.dev20260713+nightly
codegen_flags: <defaults>
</compile_context>

<pallas_src>
import functools

import jax
import jax.numpy as jnp
from jax import lax
from jax.experimental import pallas as pl
from jax.experimental.pallas import tpu as pltpu
from jax.experimental.pallas import tpu_sc as plsc

_C = 128
_S = 256
_K = 32
_EPS = 1e-12
_NW = 32
_NPW = _S // _NW
_BPW = (_S * _K) // _NW
_SB = 128
_GRID = _S // _SB


def _gather_body(table, nid, nbr, out_n, out_b,
                 nidx_v, nrows_v, bidx_v, brows_v, sem_n, sem_b):
    wid = lax.axis_index("s") * 2 + lax.axis_index("c")
    pltpu.sync_copy(nid.at[pl.ds(wid * _NPW, _NPW)], nidx_v)
    cp_n = pltpu.async_copy(table.at[nidx_v], nrows_v, sem_n)
    pltpu.sync_copy(nbr.at[pl.ds(wid * _NPW, _NPW)], bidx_v)
    cps = [pltpu.async_copy(table.at[bidx_v.at[j]],
                            brows_v.at[pl.ds(j * _K, _K)], sem_b)
           for j in range(_NPW)]
    cp_n.wait()
    pltpu.sync_copy(nrows_v, out_n.at[pl.ds(wid * _NPW, _NPW)])
    for cp in cps:
        cp.wait()
    pltpu.sync_copy(brows_v, out_b.at[pl.ds(wid * _BPW, _BPW)])


@functools.cache
def _gather_rows():
    return functools.partial(
        pl.kernel,
        out_type=[jax.ShapeDtypeStruct((_S, _C), jnp.float32),
                  jax.ShapeDtypeStruct((_S * _K, _C), jnp.float32)],
        mesh=plsc.VectorSubcoreMesh(core_axis_name="c", subcore_axis_name="s"),
        scratch_types=[pltpu.VMEM((_NPW,), jnp.int32),
                       pltpu.VMEM((_NPW, _C), jnp.float32),
                       pltpu.VMEM((_NPW, _K), jnp.int32),
                       pltpu.VMEM((_BPW, _C), jnp.float32),
                       pltpu.SemaphoreType.DMA,
                       pltpu.SemaphoreType.DMA],
    )(_gather_body)


def _loss_body(fn_ref, fb_ref, tw_ref, out_ref):
    i = pl.program_id(0)
    xn = fn_ref[...]
    en = jnp.exp(xn)
    fnn = en * lax.rsqrt(jnp.sum(en * en, axis=1, keepdims=True))
    xb = fb_ref[...]
    eb = jnp.exp(xb)
    fbn = eb * lax.rsqrt(jnp.sum(eb * eb, axis=1, keepdims=True))
    sims_all = lax.dot_general(fbn, fnn, (((1,), (1,)), ((), ())),
                               preferred_element_type=jnp.float32,
                               precision=lax.Precision.DEFAULT)
    cols = [sims_all[n * _K:(n + 1) * _K, n:n + 1] for n in range(_SB)]
    sims = jnp.concatenate(cols, axis=1)
    es = jnp.exp(sims)
    sd = es / jnp.sum(es, axis=0, keepdims=True)
    log_sd_t = jnp.log(sd + _EPS).T
    tw = tw_ref[...]
    et = jnp.exp(tw)
    td = et / jnp.sum(et, axis=1, keepdims=True)
    kl = td * (jnp.log(td + _EPS) - log_sd_t)
    tot = jnp.sum(jnp.sum(kl, axis=0, keepdims=True), axis=1, keepdims=True)

    @pl.when(i == 0)
    def _init():
        out_ref[...] = jnp.zeros_like(out_ref)

    out_ref[...] += tot * (1.0 / _S)


def _loss_call(nodes, nbrs, tw):
    return pl.pallas_call(
        _loss_body,
        grid=(_GRID,),
        in_specs=[pl.BlockSpec((_SB, _C), lambda i: (i, 0)),
                  pl.BlockSpec((_SB * _K, _C), lambda i: (i, 0)),
                  pl.BlockSpec((_SB, _K), lambda i: (i, 0))],
        out_specs=pl.BlockSpec((1, 1), lambda i: (0, 0)),
        out_shape=jax.ShapeDtypeStruct((1, 1), jnp.float32),
    )(nodes, nbrs, tw)


def kernel(student_out, edge_index, node_ids, neighbor_idx, teacher_weights):
    del edge_index
    nodes, nbrs = _gather_rows()(student_out, node_ids, neighbor_idx)
    loss = _loss_call(nodes, nbrs, teacher_weights)
    return loss[0, 0]

# --- scband reference (transcript-rebuilt; emitter-appended) ---
"""Pipeline reference for scband-attention-distillation-loss-4698694222571 (READ-ONLY COPY).

The authoritative reference and input builder live on the scoring server;
editing this copy changes nothing except your own understanding.
"""

import jax, jax.numpy as jnp
import numpy as np

TEMPERATURE = 1.0

N, C, E, S, K = 100000, 128, 1600000, 256, 32

def setup_inputs(seed: int = 0) -> dict:
    key = jax.random.key(seed)
    k1, k2, k3, k4, k5 = jax.random.split(key, 5)
    student_out = jax.random.normal(k1, (N, C), dtype=jnp.float32)
    edge_index = jax.random.randint(k2, (2, E), 0, N, dtype=jnp.int32)
    node_ids = jax.random.randint(k3, (S,), 0, N, dtype=jnp.int32)
    neighbor_idx = jax.random.randint(k4, (S, K), 0, N, dtype=jnp.int32)
    teacher_weights = jax.random.uniform(k5, (S, K), dtype=jnp.float32)
    return {"student_out": student_out, "edge_index": edge_index, "node_ids": node_ids, "neighbor_idx": neighbor_idx, "teacher_weights": teacher_weights}


def reference(student_out, edge_index, node_ids, neighbor_idx, teacher_weights):
    T = TEMPERATURE
    # student_feat = L2-normalized softmax of student logits (F.normalize eps=1e-12)
    p = jax.nn.softmax(student_out / T, axis=1)
    nrm = jnp.maximum(jnp.linalg.norm(p, axis=1, keepdims=True), 1e-12)
    student_feat = p / nrm
    # teacher attention distribution per sampled node (dict-of-dicts densified to [S, K])
    teacher_dist = jax.nn.softmax(teacher_weights / T, axis=1)
    # gather sampled node features and their neighbors' features
    node_feat = jnp.take(student_feat, node_ids, axis=0)          # [S, C]
    neighbor_feat = jnp.take(student_feat, neighbor_idx, axis=0)  # [S, K, C]
    # student similarity distribution: mm(node_feat, neighbor_feat.T) per node
    student_sim = jnp.einsum('nc,nkc->nk', node_feat, neighbor_feat)
    student_dist = jax.nn.softmax(student_sim / T, axis=1)
    # F.kl_div(student_dist.log(), teacher_dist, reduction='sum') per node
    kl = jnp.sum(teacher_dist * (jnp.log(teacher_dist + 1e-12) - jnp.log(student_dist + 1e-12)), axis=1)
    # average over valid sampled nodes (all S nodes have K>=2 neighbors here)
    return jnp.mean(kl)

if __name__ == "__main__":
    import jax
    _d = setup_inputs()
    print(jax.jit(kernel)(*tuple(_d.values())))

</pallas_src>

<mosaic_0001>
#map = affine_map<(d0, d1) -> (0, 0)>
#map1 = affine_map<(d0, d1) -> (0)>
module attributes {stable_mosaic.version = 14 : i64} {
  func.func @_gather_body(%arg0: i32, %arg1: i32, %arg2: memref<100000x128xf32, #tpu.memory_space<hbm>>, %arg3: memref<256xi32, #tpu.memory_space<hbm>>, %arg4: memref<256x32xi32, #tpu.memory_space<hbm>>, %arg5: memref<256x128xf32, #tpu.memory_space<hbm>>, %arg6: memref<8192x128xf32, #tpu.memory_space<hbm>>, %arg7: memref<8xi32, #tpu.memory_space<vmem>>, %arg8: memref<8x128xf32, #tpu.memory_space<vmem>>, %arg9: memref<8x32xi32, #tpu.memory_space<vmem>>, %arg10: memref<256x128xf32, #tpu.memory_space<vmem>>, %arg11: memref<!tpu.dma_semaphore, #tpu.memory_space<semaphore_mem>>, %arg12: memref<!tpu.dma_semaphore, #tpu.memory_space<semaphore_mem>>) attributes {dimension_semantics = [#tpu.dimension_semantics<core_parallel>, #tpu.dimension_semantics<subcore_parallel>], iteration_bounds = array<i64: 2, 16>, scalar_prefetch = 0 : i64, scratch_operands = 6 : i64, tpu.core_type = #tpu.core_type<sc_vector_subcore>, window_params = [{transform_indices = #map}, {transform_indices = #map1}, {transform_indices = #map}, {transform_indices = #map}, {transform_indices = #map}]} {
    %mul3A = arith.constant 2 : i32
    %mul3A_0 = arith.muli %arg1, %mul3A : i32
    %add3A = arith.addi %mul3A_0, %arg0 : i32
    %mul3A_1 = arith.constant 8 : i32
    %mul3A_2 = arith.muli %add3A, %mul3A_1 : i32
    "tpu.region"() ({
      %run_scoped3A = tpu.sem_alloc : memref<!tpu.dma_semaphore, #tpu.memory_space<semaphore_mem>>
      %dma_start3A_173 = tpu.memref_slice %arg3[%mul3A_2] : memref<256xi32, #tpu.memory_space<hbm>> -> memref<8xi32, #tpu.memory_space<hbm>>
      %dma_start3A_174 = tpu.memref_slice %arg3[%mul3A_2] : memref<256xi32, #tpu.memory_space<hbm>> -> memref<8xi32, #tpu.memory_space<hbm>>
      tpu.enqueue_dma source(%dma_start3A_174 : memref<8xi32, #tpu.memory_space<hbm>>) target(%arg7 : memref<8xi32, #tpu.memory_space<vmem>>) target_semaphore(%run_scoped3A : memref<!tpu.dma_semaphore, #tpu.memory_space<semaphore_mem>>)
      %dma_wait3A_175 = tpu.memref_slice %arg3[%mul3A_2] : memref<256xi32, #tpu.memory_space<hbm>> -> memref<8xi32, #tpu.memory_space<hbm>>
      %dma_wait3A_176 = tpu.memref_slice %arg3[%mul3A_2] : memref<256xi32, #tpu.memory_space<hbm>> -> memref<8xi32, #tpu.memory_space<hbm>>
      tpu.wait_dma2 semaphore(%run_scoped3A : memref<!tpu.dma_semaphore, #tpu.memory_space<semaphore_mem>>) src(%dma_wait3A_176 : memref<8xi32, #tpu.memory_space<hbm>>) dst(%arg7 : memref<8xi32, #tpu.memory_space<vmem>>)
      tpu.yield
    }) : () -> ()
    %dma_start3A = arith.constant 0 : i32
    %dma_start3A_3 = arith.constant 0 : i32
    %dma_start3A_4 = tpu.memref_slice %arg2[%dma_start3A, %dma_start3A_3] : memref<100000x128xf32, #tpu.memory_space<hbm>> -> memref<100000x128xf32, #tpu.memory_space<hbm>>
    tpu.enqueue_indirect_dma source(%dma_start3A_4 : memref<100000x128xf32, #tpu.memory_space<hbm>>) target(%arg8 : memref<8x128xf32, #tpu.memory_space<vmem>>) offsets(%arg7 : memref<8xi32, #tpu.memory_space<vmem>>) semaphore(%arg11 : memref<!tpu.dma_semaphore, #tpu.memory_space<semaphore_mem>>)
    %mul3A_5 = arith.constant 8 : i32
    %mul3A_6 = arith.muli %add3A, %mul3A_5 : i32
    "tpu.region"() ({
      %run_scoped3A = tpu.sem_alloc : memref<!tpu.dma_semaphore, #tpu.memory_space<semaphore_mem>>
      %dma_start3A_173 = arith.constant 0 : i32
      %dma_start3A_174 = tpu.memref_slice %arg4[%mul3A_6, %dma_start3A_173] : memref<256x32xi32, #tpu.memory_space<hbm>> -> memref<8x32xi32, #tpu.memory_space<hbm>>
      %dma_start3A_175 = arith.constant 0 : i32
      %dma_start3A_176 = tpu.memref_slice %arg4[%mul3A_6, %dma_start3A_175] : memref<256x32xi32, #tpu.memory_space<hbm>> -> memref<8x32xi32, #tpu.memory_space<hbm>>
      tpu.enqueue_dma source(%dma_start3A_176 : memref<8x32xi32, #tpu.memory_space<hbm>>) target(%arg9 : memref<8x32xi32, #tpu.memory_space<vmem>>) target_semaphore(%run_scoped3A : memref<!tpu.dma_semaphore, #tpu.memory_space<semaphore_mem>>)
      %dma_wait3A_177 = arith.constant 0 : i32
      %dma_wait3A_178 = tpu.memref_slice %arg4[%mul3A_6, %dma_wait3A_177] : memref<256x32xi32, #tpu.memory_space<hbm>> -> memref<8x32xi32, #tpu.memory_space<hbm>>
      %dma_wait3A_179 = arith.constant 0 : i32
      %dma_wait3A_180 = tpu.memref_slice %arg4[%mul3A_6, %dma_wait3A_179] : memref<256x32xi32, #tpu.memory_space<hbm>> -> memref<8x32xi32, #tpu.memory_space<hbm>>
      tpu.wait_dma2 semaphore(%run_scoped3A : memref<!tpu.dma_semaphore, #tpu.memory_space<semaphore_mem>>) src(%dma_wait3A_180 : memref<8x32xi32, #tpu.memory_space<hbm>>) dst(%arg9 : memref<8x32xi32, #tpu.memory_space<vmem>>)
      tpu.yield
    }) : () -> ()
    %dma_start3A_7 = arith.constant 0 : i32
    %dma_start3A_8 = arith.constant 0 : i32
    %dma_start3A_9 = arith.constant 0 : i32
    %dma_start3A_10 = tpu.memref_slice %arg10[%dma_start3A_8, %dma_start3A_9] : memref<256x128xf32, #tpu.memory_space<vmem>> -> memref<32x128xf32, #tpu.memory_space<vmem>>
    %dma_start3A_11 = arith.constant 0 : i32
    %dma_start3A_12 = tpu.memref_slice %arg9[%dma_start3A_7, %dma_start3A_11] : memref<8x32xi32, #tpu.memory_space<vmem>> -> memref<1x32xi32, #tpu.memory_space<vmem>>
    %dma_start3A_13 = tpu.memref_squeeze %dma_start3A_12 : memref<1x32xi32, #tpu.memory_space<vmem>> -> memref<32xi32, #tpu.memory_space<vmem>>
    %dma_start3A_14 = arith.constant 0 : i32
    %dma_start3A_15 = arith.constant 0 : i32
    %dma_start3A_16 = tpu.memref_slice %arg2[%dma_start3A_14, %dma_start3A_15] : memref<100000x128xf32, #tpu.memory_space<hbm>> -> memref<100000x128xf32, #tpu.memory_space<hbm>>
    tpu.enqueue_indirect_dma source(%dma_start3A_16 : memref<100000x128xf32, #tpu.memory_space<hbm>>) target(%dma_start3A_10 : memref<32x128xf32, #tpu.memory_space<vmem>>) offsets(%dma_start3A_13 : memref<32xi32, #tpu.memory_space<vmem>>) semaphore(%arg12 : memref<!tpu.dma_semaphore, #tpu.memory_space<semaphore_mem>>)
    %dma_start3A_17 = arith.constant 1 : i32
    %dma_start3A_18 = arith.constant 32 : i32
    %dma_start3A_19 = arith.constant 0 : i32
    %dma_start3A_20 = tpu.memref_slice %arg10[%dma_start3A_18, %dma_start3A_19] : memref<256x128xf32, #tpu.memory_space<vmem>> -> memref<32x128xf32, #tpu.memory_space<vmem>>
    %dma_start3A_21 = arith.constant 0 : i32
    %dma_start3A_22 = tpu.memref_slice %arg9[%dma_start3A_17, %dma_start3A_21] : memref<8x32xi32, #tpu.memory_space<vmem>> -> memref<1x32xi32, #tpu.memory_space<vmem>>
    %dma_start3A_23 = tpu.memref_squeeze %dma_start3A_22 : memref<1x32xi32, #tpu.memory_space<vmem>> -> memref<32xi32, #tpu.memory_space<vmem>>
    %dma_start3A_24 = arith.constant 0 : i32
    %dma_start3A_25 = arith.constant 0 : i32
    %dma_start3A_26 = tpu.memref_slice %arg2[%dma_start3A_24, %dma_start3A_25] : memref<100000x128xf32, #tpu.memory_space<hbm>> -> memref<100000x128xf32, #tpu.memory_space<hbm>>
    tpu.enqueue_indirect_dma source(%dma_start3A_26 : memref<100000x128xf32, #tpu.memory_space<hbm>>) target(%dma_start3A_20 : memref<32x128xf32, #tpu.memory_space<vmem>>) offsets(%dma_start3A_23 : memref<32xi32, #tpu.memory_space<vmem>>) semaphore(%arg12 : memref<!tpu.dma_semaphore, #tpu.memory_space<semaphore_mem>>)
    %dma_start3A_27 = arith.constant 2 : i32
    %dma_start3A_28 = arith.constant 64 : i32
    %dma_start3A_29 = arith.constant 0 : i32
    %dma_start3A_30 = tpu.memref_slice %arg10[%dma_start3A_28, %dma_start3A_29] : memref<256x128xf32, #tpu.memory_space<vmem>> -> memref<32x128xf32, #tpu.memory_space<vmem>>
    %dma_start3A_31 = arith.constant 0 : i32
    %dma_start3A_32 = tpu.memref_slice %arg9[%dma_start3A_27, %dma_start3A_31] : memref<8x32xi32, #tpu.memory_space<vmem>> -> memref<1x32xi32, #tpu.memory_space<vmem>>
    %dma_start3A_33 = tpu.memref_squeeze %dma_start3A_32 : memref<1x32xi32, #tpu.memory_space<vmem>> -> memref<32xi32, #tpu.memory_space<vmem>>
    %dma_start3A_34 = arith.constant 0 : i32
    %dma_start3A_35 = arith.constant 0 : i32
    %dma_start3A_36 = tpu.memref_slice %arg2[%dma_start3A_34, %dma_start3A_35] : memref<100000x128xf32, #tpu.memory_space<hbm>> -> memref<100000x128xf32, #tpu.memory_space<hbm>>
    tpu.enqueue_indirect_dma source(%dma_start3A_36 : memref<100000x128xf32, #tpu.memory_space<hbm>>) target(%dma_start3A_30 : memref<32x128xf32, #tpu.memory_space<vmem>>) offsets(%dma_start3A_33 : memref<32xi32, #tpu.memory_space<vmem>>) semaphore(%arg12 : memref<!tpu.dma_semaphore, #tpu.memory_space<semaphore_mem>>)
    %dma_start3A_37 = arith.constant 3 : i32
    %dma_start3A_38 = arith.constant 96 : i32
    %dma_start3A_39 = arith.constant 0 : i32
    %dma_start3A_40 = tpu.memref_slice %arg10[%dma_start3A_38, %dma_start3A_39] : memref<256x128xf32, #tpu.memory_space<vmem>> -> memref<32x128xf32, #tpu.memory_space<vmem>>
    %dma_start3A_41 = arith.constant 0 : i32
    %dma_start3A_42 = tpu.memref_slice %arg9[%dma_start3A_37, %dma_start3A_41] : memref<8x32xi32, #tpu.memory_space<vmem>> -> memref<1x32xi32, #tpu.memory_space<vmem>>
    %dma_start3A_43 = tpu.memref_squeeze %dma_start3A_42 : memref<1x32xi32, #tpu.memory_space<vmem>> -> memref<32xi32, #tpu.memory_space<vmem>>
    %dma_start3A_44 = arith.constant 0 : i32
    %dma_start3A_45 = arith.constant 0 : i32
    %dma_start3A_46 = tpu.memref_slice %arg2[%dma_start3A_44, %dma_start3A_45] : memref<100000x128xf32, #tpu.memory_space<hbm>> -> memref<100000x128xf32, #tpu.memory_space<hbm>>
    tpu.enqueue_indirect_dma source(%dma_start3A_46 : memref<100000x128xf32, #tpu.memory_space<hbm>>) target(%dma_start3A_40 : memref<32x128xf32, #tpu.memory_space<vmem>>) offsets(%dma_start3A_43 : memref<32xi32, #tpu.memory_space<vmem>>) semaphore(%arg12 : memref<!tpu.dma_semaphore, #tpu.memory_space<semaphore_mem>>)
    %dma_start3A_47 = arith.constant 4 : i32
    %dma_start3A_48 = arith.constant 128 : i32
    %dma_start3A_49 = arith.constant 0 : i32
    %dma_start3A_50 = tpu.memref_slice %arg10[%dma_start3A_48, %dma_start3A_49] : memref<256x128xf32, #tpu.memory_space<vmem>> -> memref<32x128xf32, #tpu.memory_space<vmem>>
    %dma_start3A_51 = arith.constant 0 : i32
    %dma_start3A_52 = tpu.memref_slice %arg9[%dma_start3A_47, %dma_start3A_51] : memref<8x32xi32, #tpu.memory_space<vmem>> -> memref<1x32xi32, #tpu.memory_space<vmem>>
    %dma_start3A_53 = tpu.memref_squeeze %dma_start3A_52 : memref<1x32xi32, #tpu.memory_space<vmem>> -> memref<32xi32, #tpu.memory_space<vmem>>
    %dma_start3A_54 = arith.constant 0 : i32
    %dma_start3A_55 = arith.constant 0 : i32
    %dma_start3A_56 = tpu.memref_slice %arg2[%dma_start3A_54, %dma_start3A_55] : memref<100000x128xf32, #tpu.memory_space<hbm>> -> memref<100000x128xf32, #tpu.memory_space<hbm>>
    tpu.enqueue_indirect_dma source(%dma_start3A_56 : memref<100000x128xf32, #tpu.memory_space<hbm>>) target(%dma_start3A_50 : memref<32x128xf32, #tpu.memory_space<vmem>>) offsets(%dma_start3A_53 : memref<32xi32, #tpu.memory_space<vmem>>) semaphore(%arg12 : memref<!tpu.dma_semaphore, #tpu.memory_space<semaphore_mem>>)
    %dma_start3A_57 = arith.constant 5 : i32
    %dma_start3A_58 = arith.constant 160 : i32
    %dma_start3A_59 = arith.constant 0 : i32
    %dma_start3A_60 = tpu.memref_slice %arg10[%dma_start3A_58, %dma_start3A_59] : memref<256x128xf32, #tpu.memory_space<vmem>> -> memref<32x128xf32, #tpu.memory_space<vmem>>
    %dma_start3A_61 = arith.constant 0 : i32
    %dma_start3A_62 = tpu.memref_slice %arg9[%dma_start3A_57, %dma_start3A_61] : memref<8x32xi32, #tpu.memory_space<vmem>> -> memref<1x32xi32, #tpu.memory_space<vmem>>
    %dma_start3A_63 = tpu.memref_squeeze %dma_start3A_62 : memref<1x32xi32, #tpu.memory_space<vmem>> -> memref<32xi32, #tpu.memory_space<vmem>>
    %dma_start3A_64 = arith.constant 0 : i32
    %dma_start3A_65 = arith.constant 0 : i32
    %dma_start3A_66 = tpu.memref_slice %arg2[%dma_start3A_64, %dma_start3A_65] : memref<100000x128xf32, #tpu.memory_space<hbm>> -> memref<100000x128xf32, #tpu.memory_space<hbm>>
    tpu.enqueue_indirect_dma source(%dma_start3A_66 : memref<100000x128xf32, #tpu.memory_space<hbm>>) target(%dma_start3A_60 : memref<32x128xf32, #tpu.memory_space<vmem>>) offsets(%dma_start3A_63 : memref<32xi32, #tpu.memory_space<vmem>>) semaphore(%arg12 : memref<!tpu.dma_semaphore, #tpu.memory_space<semaphore_mem>>)
    %dma_start3A_67 = arith.constant 6 : i32
    %dma_start3A_68 = arith.constant 192 : i32
    %dma_start3A_69 = arith.constant 0 : i32
    %dma_start3A_70 = tpu.memref_slice %arg10[%dma_start3A_68, %dma_start3A_69] : memref<256x128xf32, #tpu.memory_space<vmem>> -> memref<32x128xf32, #tpu.memory_space<vmem>>
    %dma_start3A_71 = arith.constant 0 : i32
    %dma_start3A_72 = tpu.memref_slice %arg9[%dma_start3A_67, %dma_start3A_71] : memref<8x32xi32, #tpu.memory_space<vmem>> -> memref<1x32xi32, #tpu.memory_space<vmem>>
    %dma_start3A_73 = tpu.memref_squeeze %dma_start3A_72 : memref<1x32xi32, #tpu.memory_space<vmem>> -> memref<32xi32, #tpu.memory_space<vmem>>
    %dma_start3A_74 = arith.constant 0 : i32
    %dma_start3A_75 = arith.constant 0 : i32
    %dma_start3A_76 = tpu.memref_slice %arg2[%dma_start3A_74, %dma_start3A_75] : memref<100000x128xf32, #tpu.memory_space<hbm>> -> memref<100000x128xf32, #tpu.memory_space<hbm>>
    tpu.enqueue_indirect_dma source(%dma_start3A_76 : memref<100000x128xf32, #tpu.memory_space<hbm>>) target(%dma_start3A_70 : memref<32x128xf32, #tpu.memory_space<vmem>>) offsets(%dma_start3A_73 : memref<32xi32, #tpu.memory_space<vmem>>) semaphore(%arg12 : memref<!tpu.dma_semaphore, #tpu.memory_space<semaphore_mem>>)
    %dma_start3A_77 = arith.constant 7 : i32
    %dma_start3A_78 = arith.constant 224 : i32
    %dma_start3A_79 = arith.constant 0 : i32
    %dma_start3A_80 = tpu.memref_slice %arg10[%dma_start3A_78, %dma_start3A_79] : memref<256x128xf32, #tpu.memory_space<vmem>> -> memref<32x128xf32, #tpu.memory_space<vmem>>
    %dma_start3A_81 = arith.constant 0 : i32
    %dma_start3A_82 = tpu.memref_slice %arg9[%dma_start3A_77, %dma_start3A_81] : memref<8x32xi32, #tpu.memory_space<vmem>> -> memref<1x32xi32, #tpu.memory_space<vmem>>
    %dma_start3A_83 = tpu.memref_squeeze %dma_start3A_82 : memref<1x32xi32, #tpu.memory_space<vmem>> -> memref<32xi32, #tpu.memory_space<vmem>>
    %dma_start3A_84 = arith.constant 0 : i32
    %dma_start3A_85 = arith.constant 0 : i32
    %dma_start3A_86 = tpu.memref_slice %arg2[%dma_start3A_84, %dma_start3A_85] : memref<100000x128xf32, #tpu.memory_space<hbm>> -> memref<100000x128xf32, #tpu.memory_space<hbm>>
    tpu.enqueue_indirect_dma source(%dma_start3A_86 : memref<100000x128xf32, #tpu.memory_space<hbm>>) target(%dma_start3A_80 : memref<32x128xf32, #tpu.memory_space<vmem>>) offsets(%dma_start3A_83 : memref<32xi32, #tpu.memory_space<vmem>>) semaphore(%arg12 : memref<!tpu.dma_semaphore, #tpu.memory_space<semaphore_mem>>)
    %dma_wait3A = arith.constant 0 : i32
    %dma_wait3A_87 = arith.constant 0 : i32
    %dma_wait3A_88 = tpu.memref_slice %arg2[%dma_wait3A, %dma_wait3A_87] : memref<100000x128xf32, #tpu.memory_space<hbm>> -> memref<100000x128xf32, #tpu.memory_space<hbm>>
    tpu.wait_indirect_dma semaphore(%arg11 : memref<!tpu.dma_semaphore, #tpu.memory_space<semaphore_mem>>) src(%dma_wait3A_88 : memref<100000x128xf32, #tpu.memory_space<hbm>>) dst(%arg8 : memref<8x128xf32, #tpu.memory_space<vmem>>)
    %mul3A_89 = arith.constant 8 : i32
    %mul3A_90 = arith.muli %add3A, %mul3A_89 : i32
    "tpu.region"() ({
      %run_scoped3A = tpu.sem_alloc : memref<!tpu.dma_semaphore, #tpu.memory_space<semaphore_mem>>
      %dma_start3A_173 = arith.constant 0 : i32
      %dma_start3A_174 = tpu.memref_slice %arg5[%mul3A_90, %dma_start3A_173] : memref<256x128xf32, #tpu.memory_space<hbm>> -> memref<8x128xf32, #tpu.memory_space<hbm>>
      %dma_start3A_175 = arith.constant 0 : i32
      %dma_start3A_176 = tpu.memref_slice %arg5[%mul3A_90, %dma_start3A_175] : memref<256x128xf32, #tpu.memory_space<hbm>> -> memref<8x128xf32, #tpu.memory_space<hbm>>
      tpu.enqueue_dma source(%arg8 : memref<8x128xf32, #tpu.memory_space<vmem>>) target(%dma_start3A_176 : memref<8x128xf32, #tpu.memory_space<hbm>>) target_semaphore(%run_scoped3A : memref<!tpu.dma_semaphore, #tpu.memory_space<semaphore_mem>>)
      %dma_wait3A_177 = arith.constant 0 : i32
      %dma_wait3A_178 = tpu.memref_slice %arg5[%mul3A_90, %dma_wait3A_177] : memref<256x128xf32, #tpu.memory_space<hbm>> -> memref<8x128xf32, #tpu.memory_space<hbm>>
      %dma_wait3A_179 = arith.constant 0 : i32
      %dma_wait3A_180 = tpu.memref_slice %arg5[%mul3A_90, %dma_wait3A_179] : memref<256x128xf32, #tpu.memory_space<hbm>> -> memref<8x128xf32, #tpu.memory_space<hbm>>
      tpu.wait_dma2 semaphore(%run_scoped3A : memref<!tpu.dma_semaphore, #tpu.memory_space<semaphore_mem>>) src(%arg8 : memref<8x128xf32, #tpu.memory_space<vmem>>) dst(%dma_wait3A_180 : memref<8x128xf32, #tpu.memory_space<hbm>>)
      tpu.yield
    }) : () -> ()
    %dma_wait3A_91 = arith.constant 0 : i32
    %dma_wait3A_92 = arith.constant 0 : i32
    %dma_wait3A_93 = arith.constant 0 : i32
    %dma_wait3A_94 = tpu.memref_slice %arg10[%dma_wait3A_92, %dma_wait3A_93] : memref<256x128xf32, #tpu.memory_space<vmem>> -> memref<32x128xf32, #tpu.memory_space<vmem>>
    %dma_wait3A_95 = arith.constant 0 : i32
    %dma_wait3A_96 = tpu.memref_slice %arg9[%dma_wait3A_91, %dma_wait3A_95] : memref<8x32xi32, #tpu.memory_space<vmem>> -> memref<1x32xi32, #tpu.memory_space<vmem>>
    %dma_wait3A_97 = tpu.memref_squeeze %dma_wait3A_96 : memref<1x32xi32, #tpu.memory_space<vmem>> -> memref<32xi32, #tpu.memory_space<vmem>>
    %dma_wait3A_98 = arith.constant 0 : i32
    %dma_wait3A_99 = arith.constant 0 : i32
    %dma_wait3A_100 = tpu.memref_slice %arg2[%dma_wait3A_98, %dma_wait3A_99] : memref<100000x128xf32, #tpu.memory_space<hbm>> -> memref<100000x128xf32, #tpu.memory_space<hbm>>
    tpu.wait_indirect_dma semaphore(%arg12 : memref<!tpu.dma_semaphore, #tpu.memory_space<semaphore_mem>>) src(%dma_wait3A_100 : memref<100000x128xf32, #tpu.memory_space<hbm>>) dst(%dma_wait3A_94 : memref<32x128xf32, #tpu.memory_space<vmem>>)
    %dma_wait3A_101 = arith.constant 1 : i32
    %dma_wait3A_102 = arith.constant 32 : i32
    %dma_wait3A_103 = arith.constant 0 : i32
    %dma_wait3A_104 = tpu.memref_slice %arg10[%dma_wait3A_102, %dma_wait3A_103] : memref<256x128xf32, #tpu.memory_space<vmem>> -> memref<32x128xf32, #tpu.memory_space<vmem>>
    %dma_wait3A_105 = arith.constant 0 : i32
    %dma_wait3A_106 = tpu.memref_slice %arg9[%dma_wait3A_101, %dma_wait3A_105] : memref<8x32xi32, #tpu.memory_space<vmem>> -> memref<1x32xi32, #tpu.memory_space<vmem>>
    %dma_wait3A_107 = tpu.memref_squeeze %dma_wait3A_106 : memref<1x32xi32, #tpu.memory_space<vmem>> -> memref<32xi32, #tpu.memory_space<vmem>>
    %dma_wait3A_108 = arith.constant 0 : i32
    %dma_wait3A_109 = arith.constant 0 : i32
    %dma_wait3A_110 = tpu.memref_slice %arg2[%dma_wait3A_108, %dma_wait3A_109] : memref<100000x128xf32, #tpu.memory_space<hbm>> -> memref<100000x128xf32, #tpu.memory_space<hbm>>
    tpu.wait_indirect_dma semaphore(%arg12 : memref<!tpu.dma_semaphore, #tpu.memory_space<semaphore_mem>>) src(%dma_wait3A_110 : memref<100000x128xf32, #tpu.memory_space<hbm>>) dst(%dma_wait3A_104 : memref<32x128xf32, #tpu.memory_space<vmem>>)
    %dma_wait3A_111 = arith.constant 2 : i32
    %dma_wait3A_112 = arith.constant 64 : i32
    %dma_wait3A_113 = arith.constant 0 : i32
    %dma_wait3A_114 = tpu.memref_slice %arg10[%dma_wait3A_112, %dma_wait3A_113] : memref<256x128xf32, #tpu.memory_space<vmem>> -> memref<32x128xf32, #tpu.memory_space<vmem>>
    %dma_wait3A_115 = arith.constant 0 : i32
    %dma_wait3A_116 = tpu.memref_slice %arg9[%dma_wait3A_111, %dma_wait3A_115] : memref<8x32xi32, #tpu.memory_space<vmem>> -> memref<1x32xi32, #tpu.memory_space<vmem>>
    %dma_wait3A_117 = tpu.memref_squeeze %dma_wait3A_116 : memref<1x32xi32, #tpu.memory_space<vmem>> -> memref<32xi32, #tpu.memory_space<vmem>>
    %dma_wait3A_118 = arith.constant 0 : i32
    %dma_wait3A_119 = arith.constant 0 : i32
    %dma_wait3A_120 = tpu.memref_slice %arg2[%dma_wait3A_118, %dma_wait3A_119] : memref<100000x128xf32, #tpu.memory_space<hbm>> -> memref<100000x128xf32, #tpu.memory_space<hbm>>
    tpu.wait_indirect_dma semaphore(%arg12 : memref<!tpu.dma_semaphore, #tpu.memory_space<semaphore_mem>>) src(%dma_wait3A_120 : memref<100000x128xf32, #tpu.memory_space<hbm>>) dst(%dma_wait3A_114 : memref<32x128xf32, #tpu.memory_space<vmem>>)
    %dma_wait3A_121 = arith.constant 3 : i32
    %dma_wait3A_122 = arith.constant 96 : i32
    %dma_wait3A_123 = arith.constant 0 : i32
    %dma_wait3A_124 = tpu.memref_slice %arg10[%dma_wait3A_122, %dma_wait3A_123] : memref<256x128xf32, #tpu.memory_space<vmem>> -> memref<32x128xf32, #tpu.memory_space<vmem>>
    %dma_wait3A_125 = arith.constant 0 : i32
    %dma_wait3A_126 = tpu.memref_slice %arg9[%dma_wait3A_121, %dma_wait3A_125] : memref<8x32xi32, #tpu.memory_space<vmem>> -> memref<1x32xi32, #tpu.memory_space<vmem>>
    %dma_wait3A_127 = tpu.memref_squeeze %dma_wait3A_126 : memref<1x32xi32, #tpu.memory_space<vmem>> -> memref<32xi32, #tpu.memory_space<vmem>>
    %dma_wait3A_128 = arith.constant 0 : i32
    %dma_wait3A_129 = arith.constant 0 : i32
    %dma_wait3A_130 = tpu.memref_slice %arg2[%dma_wait3A_128, %dma_wait3A_129] : memref<100000x128xf32, #tpu.memory_space<hbm>> -> memref<100000x128xf32, #tpu.memory_space<hbm>>
    tpu.wait_indirect_dma semaphore(%arg12 : memref<!tpu.dma_semaphore, #tpu.memory_space<semaphore_mem>>) src(%dma_wait3A_130 : memref<100000x128xf32, #tpu.memory_space<hbm>>) dst(%dma_wait3A_124 : memref<32x128xf32, #tpu.memory_space<vmem>>)
    %dma_wait3A_131 = arith.constant 4 : i32
    %dma_wait3A_132 = arith.constant 128 : i32
    %dma_wait3A_133 = arith.constant 0 : i32
    %dma_wait3A_134 = tpu.memref_slice %arg10[%dma_wait3A_132, %dma_wait3A_133] : memref<256x128xf32, #tpu.memory_space<vmem>> -> memref<32x128xf32, #tpu.memory_space<vmem>>
    %dma_wait3A_135 = arith.constant 0 : i32
    %dma_wait3A_136 = tpu.memref_slice %arg9[%dma_wait3A_131, %dma_wait3A_135] : memref<8x32xi32, #tpu.memory_space<vmem>> -> memref<1x32xi32, #tpu.memory_space<vmem>>
    %dma_wait3A_137 = tpu.memref_squeeze %dma_wait3A_136 : memref<1x32xi32, #tpu.memory_space<vmem>> -> memref<32xi32, #tpu.memory_space<vmem>>
    %dma_wait3A_138 = arith.constant 0 : i32
    %dma_wait3A_139 = arith.constant 0 : i32
    %dma_wait3A_140 = tpu.memref_slice %arg2[%dma_wait3A_138, %dma_wait3A_139] : memref<100000x128xf32, #tpu.memory_space<hbm>> -> memref<100000x128xf32, #tpu.memory_space<hbm>>
    tpu.wait_indirect_dma semaphore(%arg12 : memref<!tpu.dma_semaphore, #tpu.memory_space<semaphore_mem>>) src(%dma_wait3A_140 : memref<100000x128xf32, #tpu.memory_space<hbm>>) dst(%dma_wait3A_134 : memref<32x128xf32, #tpu.memory_space<vmem>>)
    %dma_wait3A_141 = arith.constant 5 : i32
    %dma_wait3A_142 = arith.constant 160 : i32
    %dma_wait3A_143 = arith.constant 0 : i32
    %dma_wait3A_144 = tpu.memref_slice %arg10[%dma_wait3A_142, %dma_wait3A_143] : memref<256x128xf32, #tpu.memory_space<vmem>> -> memref<32x128xf32, #tpu.memory_space<vmem>>
    %dma_wait3A_145 = arith.constant 0 : i32
    %dma_wait3A_146 = tpu.memref_slice %arg9[%dma_wait3A_141, %dma_wait3A_145] : memref<8x32xi32, #tpu.memory_space<vmem>> -> memref<1x32xi32, #tpu.memory_space<vmem>>
    %dma_wait3A_147 = tpu.memref_squeeze %dma_wait3A_146 : memref<1x32xi32, #tpu.memory_space<vmem>> -> memref<32xi32, #tpu.memory_space<vmem>>
    %dma_wait3A_148 = arith.constant 0 : i32
    %dma_wait3A_149 = arith.constant 0 : i32
    %dma_wait3A_150 = tpu.memref_slice %arg2[%dma_wait3A_148, %dma_wait3A_149] : memref<100000x128xf32, #tpu.memory_space<hbm>> -> memref<100000x128xf32, #tpu.memory_space<hbm>>
    tpu.wait_indirect_dma semaphore(%arg12 : memref<!tpu.dma_semaphore, #tpu.memory_space<semaphore_mem>>) src(%dma_wait3A_150 : memref<100000x128xf32, #tpu.memory_space<hbm>>) dst(%dma_wait3A_144 : memref<32x128xf32, #tpu.memory_space<vmem>>)
    %dma_wait3A_151 = arith.constant 6 : i32
    %dma_wait3A_152 = arith.constant 192 : i32
    %dma_wait3A_153 = arith.constant 0 : i32
    %dma_wait3A_154 = tpu.memref_slice %arg10[%dma_wait3A_152, %dma_wait3A_153] : memref<256x128xf32, #tpu.memory_space<vmem>> -> memref<32x128xf32, #tpu.memory_space<vmem>>
    %dma_wait3A_155 = arith.constant 0 : i32
    %dma_wait3A_156 = tpu.memref_slice %arg9[%dma_wait3A_151, %dma_wait3A_155] : memref<8x32xi32, #tpu.memory_space<vmem>> -> memref<1x32xi32, #tpu.memory_space<vmem>>
    %dma_wait3A_157 = tpu.memref_squeeze %dma_wait3A_156 : memref<1x32xi32, #tpu.memory_space<vmem>> -> memref<32xi32, #tpu.memory_space<vmem>>
    %dma_wait3A_158 = arith.constant 0 : i32
    %dma_wait3A_159 = arith.constant 0 : i32
    %dma_wait3A_160 = tpu.memref_slice %arg2[%dma_wait3A_158, %dma_wait3A_159] : memref<100000x128xf32, #tpu.memory_space<hbm>> -> memref<100000x128xf32, #tpu.memory_space<hbm>>
    tpu.wait_indirect_dma semaphore(%arg12 : memref<!tpu.dma_semaphore, #tpu.memory_space<semaphore_mem>>) src(%dma_wait3A_160 : memref<100000x128xf32, #tpu.memory_space<hbm>>) dst(%dma_wait3A_154 : memref<32x128xf32, #tpu.memory_space<vmem>>)
    %dma_wait3A_161 = arith.constant 7 : i32
    %dma_wait3A_162 = arith.constant 224 : i32
    %dma_wait3A_163 = arith.constant 0 : i32
    %dma_wait3A_164 = tpu.memref_slice %arg10[%dma_wait3A_162, %dma_wait3A_163] : memref<256x128xf32, #tpu.memory_space<vmem>> -> memref<32x128xf32, #tpu.memory_space<vmem>>
    %dma_wait3A_165 = arith.constant 0 : i32
    %dma_wait3A_166 = tpu.memref_slice %arg9[%dma_wait3A_161, %dma_wait3A_165] : memref<8x32xi32, #tpu.memory_space<vmem>> -> memref<1x32xi32, #tpu.memory_space<vmem>>
    %dma_wait3A_167 = tpu.memref_squeeze %dma_wait3A_166 : memref<1x32xi32, #tpu.memory_space<vmem>> -> memref<32xi32, #tpu.memory_space<vmem>>
    %dma_wait3A_168 = arith.constant 0 : i32
    %dma_wait3A_169 = arith.constant 0 : i32
    %dma_wait3A_170 = tpu.memref_slice %arg2[%dma_wait3A_168, %dma_wait3A_169] : memref<100000x128xf32, #tpu.memory_space<hbm>> -> memref<100000x128xf32, #tpu.memory_space<hbm>>
    tpu.wait_indirect_dma semaphore(%arg12 : memref<!tpu.dma_semaphore, #tpu.memory_space<semaphore_mem>>) src(%dma_wait3A_170 : memref<100000x128xf32, #tpu.memory_space<hbm>>) dst(%dma_wait3A_164 : memref<32x128xf32, #tpu.memory_space<vmem>>)
    %mul3A_171 = arith.constant 256 : i32
    %mul3A_172 = arith.muli %add3A, %mul3A_171 : i32
    "tpu.region"() ({
      %run_scoped3A = tpu.sem_alloc : memref<!tpu.dma_semaphore, #tpu.memory_space<semaphore_mem>>
      %dma_start3A_173 = arith.constant 0 : i32
      %dma_start3A_174 = tpu.memref_slice %arg6[%mul3A_172, %dma_start3A_173] : memref<8192x128xf32, #tpu.memory_space<hbm>> -> memref<256x128xf32, #tpu.memory_space<hbm>>
      %dma_start3A_175 = arith.constant 0 : i32
      %dma_start3A_176 = tpu.memref_slice %arg6[%mul3A_172, %dma_start3A_175] : memref<8192x128xf32, #tpu.memory_space<hbm>> -> memref<256x128xf32, #tpu.memory_space<hbm>>
      tpu.enqueue_dma source(%arg10 : memref<256x128xf32, #tpu.memory_space<vmem>>) target(%dma_start3A_176 : memref<256x128xf32, #tpu.memory_space<hbm>>) target_semaphore(%run_scoped3A : memref<!tpu.dma_semaphore, #tpu.memory_space<semaphore_mem>>)
      %dma_wait3A_177 = arith.constant 0 : i32
      %dma_wait3A_178 = tpu.memref_slice %arg6[%mul3A_172, %dma_wait3A_177] : memref<8192x128xf32, #tpu.memory_space<hbm>> -> memref<256x128xf32, #tpu.memory_space<hbm>>
      %dma_wait3A_179 = arith.constant 0 : i32
      %dma_wait3A_180 = tpu.memref_slice %arg6[%mul3A_172, %dma_wait3A_179] : memref<8192x128xf32, #tpu.memory_space<hbm>> -> memref<256x128xf32, #tpu.memory_space<hbm>>
      tpu.wait_dma2 semaphore(%run_scoped3A : memref<!tpu.dma_semaphore, #tpu.memory_space<semaphore_mem>>) src(%arg10 : memref<256x128xf32, #tpu.memory_space<vmem>>) dst(%dma_wait3A_180 : memref<256x128xf32, #tpu.memory_space<hbm>>)
      tpu.yield
    }) : () -> ()
    return
  }
}

module attributes {stable_mosaic.version = 14 : i64} {
  func.func @_loss_body(%arg0: i32, %arg1: memref<128x128xf32, #tpu.memory_space<vmem>>, %arg2: memref<4096x128xf32, #tpu.memory_space<vmem>>, %arg3: memref<128x32xf32, #tpu.memory_space<vmem>>, %arg4: memref<1x1xf32, #tpu.memory_space<vmem>>) attributes {dimension_semantics = [#tpu.dimension_semantics<arbitrary>], iteration_bounds = array<i64: 2>, scalar_prefetch = 0 : i64, scratch_operands = 0 : i64, tpu.core_type = #tpu.core_type<tc>, window_params = [{transform_indices = @transform_0, window_bounds = array<i64: 128, 128>}, {transform_indices = @transform_1, window_bounds = array<i64: 4096, 128>}, {transform_indices = @transform_2, window_bounds = array<i64: 128, 32>}, {pipeline_mode = #tpu.pipeline_mode<synchronous>, transform_indices = @transform_3, window_bounds = array<i64: 1, 1>}]} {
    %get3A = arith.constant 0 : index
    %get3A_0 = arith.constant 0 : index
    %get3A_1 = vector.load %arg1[%get3A, %get3A_0] : memref<128x128xf32, #tpu.memory_space<vmem>>, vector<128x128xf32>
    %exp3A = math.exp %get3A_1 : vector<128x128xf32>
    %mul3A = arith.mulf %exp3A, %exp3A : vector<128x128xf32>
    %reduce_sum3A = arith.constant dense<0.000000e+00> : vector<128xf32>
    %reduce_sum3A_2 = vector.multi_reduction <add>, %mul3A, %reduce_sum3A [1] : vector<128x128xf32> to vector<128xf32>
    %broadcast_in_dim3A = vector.shape_cast %reduce_sum3A_2 : vector<128xf32> to vector<128x1xf32>
    %rsqrt3A = math.rsqrt %broadcast_in_dim3A : vector<128x1xf32>
    %mul3A_3 = vector.broadcast %rsqrt3A : vector<128x1xf32> to vector<128x128xf32>
    %mul3A_4 = arith.mulf %exp3A, %mul3A_3 : vector<128x128xf32>
    %get3A_5 = arith.constant 0 : index
    %get3A_6 = arith.constant 0 : index
    %get3A_7 = vector.load %arg2[%get3A_5, %get3A_6] : memref<4096x128xf32, #tpu.memory_space<vmem>>, vector<4096x128xf32>
    %exp3A_8 = math.exp %get3A_7 : vector<4096x128xf32>
    %mul3A_9 = arith.mulf %exp3A_8, %exp3A_8 : vector<4096x128xf32>
    %reduce_sum3A_10 = arith.constant dense<0.000000e+00> : vector<4096xf32>
    %reduce_sum3A_11 = vector.multi_reduction <add>, %mul3A_9, %reduce_sum3A_10 [1] : vector<4096x128xf32> to vector<4096xf32>
    %broadcast_in_dim3A_12 = vector.shape_cast %reduce_sum3A_11 : vector<4096xf32> to vector<4096x1xf32>
    %rsqrt3A_13 = math.rsqrt %broadcast_in_dim3A_12 : vector<4096x1xf32>
    %mul3A_14 = vector.broadcast %rsqrt3A_13 : vector<4096x1xf32> to vector<4096x128xf32>
    %mul3A_15 = arith.mulf %exp3A_8, %mul3A_14 : vector<4096x128xf32>
    %dot_general3A = arith.constant dense<0.000000e+00> : vector<4096x128xf32>
    %dot_general3A_16 = tpu.matmul %mul3A_15, %mul3A_4, %dot_general3A {dimension_numbers = #tpu.dot_dimension_numbers<[1], [1], [0], [0], [0, 0, 1, 0], [], []>, transpose_lhs_hint = false} : vector<4096x128xf32>, vector<128x128xf32>, vector<4096x128xf32> -> vector<4096x128xf32>
    %slice3A = vector.extract_strided_slice %dot_general3A_16 {offsets = [0, 0], sizes = [32, 1], strides = [1, 1]} : vector<4096x128xf32> to vector<32x1xf32>
    %slice3A_17 = vector.extract_strided_slice %dot_general3A_16 {offsets = [32, 1], sizes = [32, 1], strides = [1, 1]} : vector<4096x128xf32> to vector<32x1xf32>
    %slice3A_18 = vector.extract_strided_slice %dot_general3A_16 {offsets = [64, 2], sizes = [32, 1], strides = [1, 1]} : vector<4096x128xf32> to vector<32x1xf32>
    %slice3A_19 = vector.extract_strided_slice %dot_general3A_16 {offsets = [96, 3], sizes = [32, 1], strides = [1, 1]} : vector<4096x128xf32> to vector<32x1xf32>
    %slice3A_20 = vector.extract_strided_slice %dot_general3A_16 {offsets = [128, 4], sizes = [32, 1], strides = [1, 1]} : vector<4096x128xf32> to vector<32x1xf32>
    %slice3A_21 = vector.extract_strided_slice %dot_general3A_16 {offsets = [160, 5], sizes = [32, 1], strides = [1, 1]} : vector<4096x128xf32> to vector<32x1xf32>
    %slice3A_22 = vector.extract_strided_slice %dot_general3A_16 {offsets = [192, 6], sizes = [32, 1], strides = [1, 1]} : vector<4096x128xf32> to vector<32x1xf32>
    %slice3A_23 = vector.extract_strided_slice %dot_general3A_16 {offsets = [224, 7], sizes = [32, 1], strides = [1, 1]} : vector<4096x128xf32> to vector<32x1xf32>
    %slice3A_24 = vector.extract_strided_slice %dot_general3A_16 {offsets = [256, 8], sizes = [32, 1], strides = [1, 1]} : vector<4096x128xf32> to vector<32x1xf32>
    %slice3A_25 = vector.extract_strided_slice %dot_general3A_16 {offsets = [288, 9], sizes = [32, 1], strides = [1, 1]} : vector<4096x128xf32> to vector<32x1xf32>
    %slice3A_26 = vector.extract_strided_slice %dot_general3A_16 {offsets = [320, 10], sizes = [32, 1], strides = [1, 1]} : vector<4096x128xf32> to vector<32x1xf32>
    %slice3A_27 = vector.extract_strided_slice %dot_general3A_16 {offsets = [352, 11], sizes = [32, 1], strides = [1, 1]} : vector<4096x128xf32> to vector<32x1xf32>
    %slice3A_28 = vector.extract_strided_slice %dot_general3A_16 {offsets = [384, 12], sizes = [32, 1], strides = [1, 1]} : vector<4096x128xf32> to vector<32x1xf32>
    %slice3A_29 = vector.extract_strided_slice %dot_general3A_16 {offsets = [416, 13], sizes = [32, 1], strides = [1, 1]} : vector<4096x128xf32> to vector<32x1xf32>
    %slice3A_30 = vector.extract_strided_slice %dot_general3A_16 {offsets = [448, 14], sizes = [32, 1], strides = [1, 1]} : vector<4096x128xf32> to vector<32x1xf32>
    %slice3A_31 = vector.extract_strided_slice %dot_general3A_16 {offsets = [480, 15], sizes = [32, 1], strides = [1, 1]} : vector<4096x128xf32> to vector<32x1xf32>
    %slice3A_32 = vector.extract_strided_slice %dot_general3A_16 {offsets = [512, 16], sizes = [32, 1], strides = [1, 1]} : vector<4096x128xf32> to vector<32x1xf32>
    %slice3A_33 = vector.extract_strided_slice %dot_general3A_16 {offsets = [544, 17], sizes = [32, 1], strides = [1, 1]} : vector<4096x128xf32> to vector<32x1xf32>
    %slice3A_34 = vector.extract_strided_slice %dot_general3A_16 {offsets = [576, 18], sizes = [32, 1], strides = [1, 1]} : vector<4096x128xf32> to vector<32x1xf32>
    %slice3A_35 = vector.extract_strided_slice %dot_general3A_16 {offsets = [608, 19], sizes = [32, 1], strides = [1, 1]} : vector<4096x128xf32> to vector<32x1xf32>
    %slice3A_36 = vector.extract_strided_slice %dot_general3A_16 {offsets = [640, 20], sizes = [32, 1], strides = [1, 1]} : vector<4096x128xf32> to vector<32x1xf32>
    %slice3A_37 = vector.extract_strided_slice %dot_general3A_16 {offsets = [672, 21], sizes = [32, 1], strides = [1, 1]} : vector<4096x128xf32> to vector<32x1xf32>
    %slice3A_38 = vector.extract_strided_slice %dot_general3A_16 {offsets = [704, 22], sizes = [32, 1], strides = [1, 1]} : vector<4096x128xf32> to vector<32x1xf32>
    %slice3A_39 = vector.extract_strided_slice %dot_general3A_16 {offsets = [736, 23], sizes = [32, 1], strides = [1, 1]} : vector<4096x128xf32> to vector<32x1xf32>
    %slice3A_40 = vector.extract_strided_slice %dot_general3A_16 {offsets = [768, 24], sizes = [32, 1], strides = [1, 1]} : vector<4096x128xf32> to vector<32x1xf32>
    %slice3A_41 = vector.extract_strided_slice %dot_general3A_16 {offsets = [800, 25], sizes = [32, 1], strides = [1, 1]} : vector<4096x128xf32> to vector<32x1xf32>
    %slice3A_42 = vector.extract_strided_slice %dot_general3A_16 {offsets = [832, 26], sizes = [32, 1], strides = [1, 1]} : vector<4096x128xf32> to vector<32x1xf32>
    %slice3A_43 = vector.extract_strided_slice %dot_general3A_16 {offsets = [864, 27], sizes = [32, 1], strides = [1, 1]} : vector<4096x128xf32> to vector<32x1xf32>
    %slice3A_44 = vector.extract_strided_slice %dot_general3A_16 {offsets = [896, 28], sizes = [32, 1], strides = [1, 1]} : vector<4096x128xf32> to vector<32x1xf32>
    %slice3A_45 = vector.extract_strided_slice %dot_general3A_16 {offsets = [928, 29], sizes = [32, 1], strides = [1, 1]} : vector<4096x128xf32> to vector<32x1xf32>
    %slice3A_46 = vector.extract_strided_slice %dot_general3A_16 {offsets = [960, 30], sizes = [32, 1], strides = [1, 1]} : vector<4096x128xf32> to vector<32x1xf32>
    %slice3A_47 = vector.extract_strided_slice %dot_general3A_16 {offsets = [992, 31], sizes = [32, 1], strides = [1, 1]} : vector<4096x128xf32> to vector<32x1xf32>
    %slice3A_48 = vector.extract_strided_slice %dot_general3A_16 {offsets = [1024, 32], sizes = [32, 1], strides = [1, 1]} : vector<4096x128xf32> to vector<32x1xf32>
    %slice3A_49 = vector.extract_strided_slice %dot_general3A_16 {offsets = [1056, 33], sizes = [32, 1], strides = [1, 1]} : vector<4096x128xf32> to vector<32x1xf32>
    %slice3A_50 = vector.extract_strided_slice %dot_general3A_16 {offsets = [1088, 34], sizes = [32, 1], strides = [1, 1]} : vector<4096x128xf32> to vector<32x1xf32>
    %slice3A_51 = vector.extract_strided_slice %dot_general3A_16 {offsets = [1120, 35], sizes = [32, 1], strides = [1, 1]} : vector<4096x128xf32> to vector<32x1xf32>
    %slice3A_52 = vector.extract_strided_slice %dot_general3A_16 {offsets = [1152, 36], sizes = [32, 1], strides = [1, 1]} : vector<4096x128xf32> to vector<32x1xf32>
    %slice3A_53 = vector.extract_strided_slice %dot_general3A_16 {offsets = [1184, 37], sizes = [32, 1], strides = [1, 1]} : vector<4096x128xf32> to vector<32x1xf32>
    %slice3A_54 = vector.extract_strided_slice %dot_general3A_16 {offsets = [1216, 38], sizes = [32, 1], strides = [1, 1]} : vector<4096x128xf32> to vector<32x1xf32>
    %slice3A_55 = vector.extract_strided_slice %dot_general3A_16 {offsets = [1248, 39], sizes = [32, 1], strides = [1, 1]} : vector<4096x128xf32> to vector<32x1xf32>
    %slice3A_56 = vector.extract_strided_slice %dot_general3A_16 {offsets = [1280, 40], sizes = [32, 1], strides = [1, 1]} : vector<4096x128xf32> to vector<32x1xf32>
    %slice3A_57 = vector.extract_strided_slice %dot_general3A_16 {offsets = [1312, 41], sizes = [32, 1], strides = [1, 1]} : vector<4096x128xf32> to vector<32x1xf32>
    %slice3A_58 = vector.extract_strided_slice %dot_general3A_16 {offsets = [1344, 42], sizes = [32, 1], strides = [1, 1]} : vector<4096x128xf32> to vector<32x1xf32>
    %slice3A_59 = vector.extract_strided_slice %dot_general3A_16 {offsets = [1376, 43], sizes = [32, 1], strides = [1, 1]} : vector<4096x128xf32> to vector<32x1xf32>
    %slice3A_60 = vector.extract_strided_slice %dot_general3A_16 {offsets = [1408, 44], sizes = [32, 1], strides = [1, 1]} : vector<4096x128xf32> to vector<32x1xf32>
    %slice3A_61 = vector.extract_strided_slice %dot_general3A_16 {offsets = [1440, 45], sizes = [32, 1], strides = [1, 1]} : vector<4096x128xf32> to vector<32x1xf32>
    %slice3A_62 = vector.extract_strided_slice %dot_general3A_16 {offsets = [1472, 46], sizes = [32, 1], strides = [1, 1]} : vector<4096x128xf32> to vector<32x1xf32>
    %slice3A_63 = vector.extract_strided_slice %dot_general3A_16 {offsets = [1504, 47], sizes = [32, 1], strides = [1, 1]} : vector<4096x128xf32> to vector<32x1xf32>
    %slice3A_64 = vector.extract_strided_slice %dot_general3A_16 {offsets = [1536, 48], sizes = [32, 1], strides = [1, 1]} : vector<4096x128xf32> to vector<32x1xf32>
    %slice3A_65 = vector.extract_strided_slice %dot_general3A_16 {offsets = [1568, 49], sizes = [32, 1], strides = [1, 1]} : vector<4096x128xf32> to vector<32x1xf32>
    %slice3A_66 = vector.extract_strided_slice %dot_general3A_16 {offsets = [1600, 50], sizes = [32, 1], strides = [1, 1]} : vector<4096x128xf32> to vector<32x1xf32>
    %slice3A_67 = vector.extract_strided_slice %dot_general3A_16 {offsets = [1632, 51], sizes = [32, 1], strides = [1, 1]} : vector<4096x128xf32> to vector<32x1xf32>
    %slice3A_68 = vector.extract_strided_slice %dot_general3A_16 {offsets = [1664, 52], sizes = [32, 1], strides = [1, 1]} : vector<4096x128xf32> to vector<32x1xf32>
    %slice3A_69 = vector.extract_strided_slice %dot_general3A_16 {offsets = [1696, 53], sizes = [32, 1], strides = [1, 1]} : vector<4096x128xf32> to vector<32x1xf32>
    %slice3A_70 = vector.extract_strided_slice %dot_general3A_16 {offsets = [1728, 54], sizes = [32, 1], strides = [1, 1]} : vector<4096x128xf32> to vector<32x1xf32>
    %slice3A_71 = vector.extract_strided_slice %dot_general3A_16 {offsets = [1760, 55], sizes = [32, 1], strides = [1, 1]} : vector<4096x128xf32> to vector<32x1xf32>
    %slice3A_72 = vector.extract_strided_slice %dot_general3A_16 {offsets = [1792, 56], sizes = [32, 1], strides = [1, 1]} : vector<4096x128xf32> to vector<32x1xf32>
    %slice3A_73 = vector.extract_strided_slice %dot_general3A_16 {offsets = [1824, 57], sizes = [32, 1], strides = [1, 1]} : vector<4096x128xf32> to vector<32x1xf32>
    %slice3A_74 = vector.extract_strided_slice %dot_general3A_16 {offsets = [1856, 58], sizes = [32, 1], strides = [1, 1]} : vector<4096x128xf32> to vector<32x1xf32>
    %slice3A_75 = vector.extract_strided_slice %dot_general3A_16 {offsets = [1888, 59], sizes = [32, 1], strides = [1, 1]} : vector<4096x128xf32> to vector<32x1xf32>
    %slice3A_76 = vector.extract_strided_slice %dot_general3A_16 {offsets = [1920, 60], sizes = [32, 1], strides = [1, 1]} : vector<4096x128xf32> to vector<32x1xf32>
    %slice3A_77 = vector.extract_strided_slice %dot_general3A_16 {offsets = [1952, 61], sizes = [32, 1], strides = [1, 1]} : vector<4096x128xf32> to vector<32x1xf32>
    %slice3A_78 = vector.extract_strided_slice %dot_general3A_16 {offsets = [1984, 62], sizes = [32, 1], strides = [1, 1]} : vector<4096x128xf32> to vector<32x1xf32>
    %slice3A_79 = vector.extract_strided_slice %dot_general3A_16 {offsets = [2016, 63], sizes = [32, 1], strides = [1, 1]} : vector<4096x128xf32> to vector<32x1xf32>
    %slice3A_80 = vector.extract_strided_slice %dot_general3A_16 {offsets = [2048, 64], sizes = [32, 1], strides = [1, 1]} : vector<4096x128xf32> to vector<32x1xf32>
    %slice3A_81 = vector.extract_strided_slice %dot_general3A_16 {offsets = [2080, 65], sizes = [32, 1], strides = [1, 1]} : vector<4096x128xf32> to vector<32x1xf32>
    %slice3A_82 = vector.extract_strided_slice %dot_general3A_16 {offsets = [2112, 66], sizes = [32, 1], strides = [1, 1]} : vector<4096x128xf32> to vector<32x1xf32>
    %slice3A_83 = vector.extract_strided_slice %dot_general3A_16 {offsets = [2144, 67], sizes = [32, 1], strides = [1, 1]} : vector<4096x128xf32> to vector<32x1xf32>
    %slice3A_84 = vector.extract_strided_slice %dot_general3A_16 {offsets = [2176, 68], sizes = [32, 1], strides = [1, 1]} : vector<4096x128xf32> to vector<32x1xf32>
    %slice3A_85 = vector.extract_strided_slice %dot_general3A_16 {offsets = [2208, 69], sizes = [32, 1], strides = [1, 1]} : vector<4096x128xf32> to vector<32x1xf32>
    %slice3A_86 = vector.extract_strided_slice %dot_general3A_16 {offsets = [2240, 70], sizes = [32, 1], strides = [1, 1]} : vector<4096x128xf32> to vector<32x1xf32>
    %slice3A_87 = vector.extract_strided_slice %dot_general3A_16 {offsets = [2272, 71], sizes = [32, 1], strides = [1, 1]} : vector<4096x128xf32> to vector<32x1xf32>
    %slice3A_88 = vector.extract_strided_slice %dot_general3A_16 {offsets = [2304, 72], sizes = [32, 1], strides = [1, 1]} : vector<4096x128xf32> to vector<32x1xf32>
    %slice3A_89 = vector.extract_strided_slice %dot_general3A_16 {offsets = [2336, 73], sizes = [32, 1], strides = [1, 1]} : vector<4096x128xf32> to vector<32x1xf32>
    %slice3A_90 = vector.extract_strided_slice %dot_general3A_16 {offsets = [2368, 74], sizes = [32, 1], strides = [1, 1]} : vector<4096x128xf32> to vector<32x1xf32>
    %slice3A_91 = vector.extract_strided_slice %dot_general3A_16 {offsets = [2400, 75], sizes = [32, 1], strides = [1, 1]} : vector<4096x128xf32> to vector<32x1xf32>
    %slice3A_92 = vector.extract_strided_slice %dot_general3A_16 {offsets = [2432, 76], sizes = [32, 1], strides = [1, 1]} : vector<4096x128xf32> to vector<32x1xf32>
    %slice3A_93 = vector.extract_strided_slice %dot_general3A_16 {offsets = [2464, 77], sizes = [32, 1], strides = [1, 1]} : vector<4096x128xf32> to vector<32x1xf32>
    %slice3A_94 = vector.extract_strided_slice %dot_general3A_16 {offsets = [2496, 78], sizes = [32, 1], strides = [1, 1]} : vector<4096x128xf32> to vector<32x1xf32>
    %slice3A_95 = vector.extract_strided_slice %dot_general3A_16 {offsets = [2528, 79], sizes = [32, 1], strides = [1, 1]} : vector<4096x128xf32> to vector<32x1xf32>
    %slice3A_96 = vector.extract_strided_slice %dot_general3A_16 {offsets = [2560, 80], sizes = [32, 1], strides = [1, 1]} : vector<4096x128xf32> to vector<32x1xf32>
    %slice3A_97 = vector.extract_strided_slice %dot_general3A_16 {offsets = [2592, 81], sizes = [32, 1], strides = [1, 1]} : vector<4096x128xf32> to vector<32x1xf32>
    %slice3A_98 = vector.extract_strided_slice %dot_general3A_16 {offsets = [2624, 82], sizes = [32, 1], strides = [1, 1]} : vector<4096x128xf32> to vector<32x1xf32>
    %slice3A_99 = vector.extract_strided_slice %dot_general3A_16 {offsets = [2656, 83], sizes = [32, 1], strides = [1, 1]} : vector<4096x128xf32> to vector<32x1xf32>
    %slice3A_100 = vector.extract_strided_slice %dot_general3A_16 {offsets = [2688, 84], sizes = [32, 1], strides = [1, 1]} : vector<4096x128xf32> to vector<32x1xf32>
    %slice3A_101 = vector.extract_strided_slice %dot_general3A_16 {offsets = [2720, 85], sizes = [32, 1], strides = [1, 1]} : vector<4096x128xf32> to vector<32x1xf32>
    %slice3A_102 = vector.extract_strided_slice %dot_general3A_16 {offsets = [2752, 86], sizes = [32, 1], strides = [1, 1]} : vector<4096x128xf32> to vector<32x1xf32>
    %slice3A_103 = vector.extract_strided_slice %dot_general3A_16 {offsets = [2784, 87], sizes = [32, 1], strides = [1, 1]} : vector<4096x128xf32> to vector<32x1xf32>
    %slice3A_104 = vector.extract_strided_slice %dot_general3A_16 {offsets = [2816, 88], sizes = [32, 1], strides = [1, 1]} : vector<4096x128xf32> to vector<32x1xf32>
    %slice3A_105 = vector.extract_strided_slice %dot_general3A_16 {offsets = [2848, 89], sizes = [32, 1], strides = [1, 1]} : vector<4096x128xf32> to vector<32x1xf32>
    %slice3A_106 = vector.extract_strided_slice %dot_general3A_16 {offsets = [2880, 90], sizes = [32, 1], strides = [1, 1]} : vector<4096x128xf32> to vector<32x1xf32>
    %slice3A_107 = vector.extract_strided_slice %dot_general3A_16 {offsets = [2912, 91], sizes = [32, 1], strides = [1, 1]} : vector<4096x128xf32> to vector<32x1xf32>
    %slice3A_108 = vector.extract_strided_slice %dot_general3A_16 {offsets = [2944, 92], sizes = [32, 1], strides = [1, 1]} : vector<4096x128xf32> to vector<32x1xf32>
    %slice3A_109 = vector.extract_strided_slice %dot_general3A_16 {offsets = [2976, 93], sizes = [32, 1], strides = [1, 1]} : vector<4096x128xf32> to vector<32x1xf32>
    %slice3A_110 = vector.extract_strided_slice %dot_general3A_16 {offsets = [3008, 94], sizes = [32, 1], strides = [1, 1]} : vector<4096x128xf32> to vector<32x1xf32>
    %slice3A_111 = vector.extract_strided_slice %dot_general3A_16 {offsets = [3040, 95], sizes = [32, 1], strides = [1, 1]} : vector<4096x128xf32> to vector<32x1xf32>
    %slice3A_112 = vector.extract_strided_slice %dot_general3A_16 {offsets = [3072, 96], sizes = [32, 1], strides = [1, 1]} : vector<4096x128xf32> to vector<32x1xf32>
    %slice3A_113 = vector.extract_strided_slice %dot_general3A_16 {offsets = [3104, 97], sizes = [32, 1], strides = [1, 1]} : vector<4096x128xf32> to vector<32x1xf32>
    %slice3A_114 = vector.extract_strided_slice %dot_general3A_16 {offsets = [3136, 98], sizes = [32, 1], strides = [1, 1]} : vector<4096x128xf32> to vector<32x1xf32>
    %slice3A_115 = vector.extract_strided_slice %dot_general3A_16 {offsets = [3168, 99], sizes = [32, 1], strides = [1, 1]} : vector<4096x128xf32> to vector<32x1xf32>
    %slice3A_116 = vector.extract_strided_slice %dot_general3A_16 {offsets = [3200, 100], sizes = [32, 1], strides = [1, 1]} : vector<4096x128xf32> to vector<32x1xf32>
    %slice3A_117 = vector.extract_strided_slice %dot_general3A_16 {offsets = [3232, 101], sizes = [32, 1], strides = [1, 1]} : vector<4096x128xf32> to vector<32x1xf32>
    %slice3A_118 = vector.extract_strided_slice %dot_general3A_16 {offsets = [3264, 102], sizes = [32, 1], strides = [1, 1]} : vector<4096x128xf32> to vector<32x1xf32>
    %slice3A_119 = vector.extract_strided_slice %dot_general3A_16 {offsets = [3296, 103], sizes = [32, 1], strides = [1, 1]} : vector<4096x128xf32> to vector<32x1xf32>
    %slice3A_120 = vector.extract_strided_slice %dot_general3A_16 {offsets = [3328, 104], sizes = [32, 1], strides = [1, 1]} : vector<4096x128xf32> to vector<32x1xf32>
    %slice3A_121 = vector.extract_strided_slice %dot_general3A_16 {offsets = [3360, 105], sizes = [32, 1], strides = [1, 1]} : vector<4096x128xf32> to vector<32x1xf32>
    %slice3A_122 = vector.extract_strided_slice %dot_general3A_16 {offsets = [3392, 106], sizes = [32, 1], strides = [1, 1]} : vector<4096x128xf32> to vector<32x1xf32>
    %slice3A_123 = vector.extract_strided_slice %dot_general3A_16 {offsets = [3424, 107], sizes = [32, 1], strides = [1, 1]} : vector<4096x128xf32> to vector<32x1xf32>
    %slice3A_124 = vector.extract_strided_slice %dot_general3A_16 {offsets = [3456, 108], sizes = [32, 1], strides = [1, 1]} : vector<4096x128xf32> to vector<32x1xf32>
    %slice3A_125 = vector.extract_strided_slice %dot_general3A_16 {offsets = [3488, 109], sizes = [32, 1], strides = [1, 1]} : vector<4096x128xf32> to vector<32x1xf32>
    %slice3A_126 = vector.extract_strided_slice %dot_general3A_16 {offsets = [3520, 110], sizes = [32, 1], strides = [1, 1]} : vector<4096x128xf32> to vector<32x1xf32>
    %slice3A_127 = vector.extract_strided_slice %dot_general3A_16 {offsets = [3552, 111], sizes = [32, 1], strides = [1, 1]} : vector<4096x128xf32> to vector<32x1xf32>
    %slice3A_128 = vector.extract_strided_slice %dot_general3A_16 {offsets = [3584, 112], sizes = [32, 1], strides = [1, 1]} : vector<4096x128xf32> to vector<32x1xf32>
    %slice3A_129 = vector.extract_strided_slice %dot_general3A_16 {offsets = [3616, 113], sizes = [32, 1], strides = [1, 1]} : vector<4096x128xf32> to vector<32x1xf32>
    %slice3A_130 = vector.extract_strided_slice %dot_general3A_16 {offsets = [3648, 114], sizes = [32, 1], strides = [1, 1]} : vector<4096x128xf32> to vector<32x1xf32>
    %slice3A_131 = vector.extract_strided_slice %dot_general3A_16 {offsets = [3680, 115], sizes = [32, 1], strides = [1, 1]} : vector<4096x128xf32> to vector<32x1xf32>
    %slice3A_132 = vector.extract_strided_slice %dot_general3A_16 {offsets = [3712, 116], sizes = [32, 1], strides = [1, 1]} : vector<4096x128xf32> to vector<32x1xf32>
    %slice3A_133 = vector.extract_strided_slice %dot_general3A_16 {offsets = [3744, 117], sizes = [32, 1], strides = [1, 1]} : vector<4096x128xf32> to vector<32x1xf32>
    %slice3A_134 = vector.extract_strided_slice %dot_general3A_16 {offsets = [3776, 118], sizes = [32, 1], strides = [1, 1]} : vector<4096x128xf32> to vector<32x1xf32>
    %slice3A_135 = vector.extract_strided_slice %dot_general3A_16 {offsets = [3808, 119], sizes = [32, 1], strides = [1, 1]} : vector<4096x128xf32> to vector<32x1xf32>
    %slice3A_136 = vector.extract_strided_slice %dot_general3A_16 {offsets = [3840, 120], sizes = [32, 1], strides = [1, 1]} : vector<4096x128xf32> to vector<32x1xf32>
    %slice3A_137 = vector.extract_strided_slice %dot_general3A_16 {offsets = [3872, 121], sizes = [32, 1], strides = [1, 1]} : vector<4096x128xf32> to vector<32x1xf32>
    %slice3A_138 = vector.extract_strided_slice %dot_general3A_16 {offsets = [3904, 122], sizes = [32, 1], strides = [1, 1]} : vector<4096x128xf32> to vector<32x1xf32>
    %slice3A_139 = vector.extract_strided_slice %dot_general3A_16 {offsets = [3936, 123], sizes = [32, 1], strides = [1, 1]} : vector<4096x128xf32> to vector<32x1xf32>
    %slice3A_140 = vector.extract_strided_slice %dot_general3A_16 {offsets = [3968, 124], sizes = [32, 1], strides = [1, 1]} : vector<4096x128xf32> to vector<32x1xf32>
    %slice3A_141 = vector.extract_strided_slice %dot_general3A_16 {offsets = [4000, 125], sizes = [32, 1], strides = [1, 1]} : vector<4096x128xf32> to vector<32x1xf32>
    %slice3A_142 = vector.extract_strided_slice %dot_general3A_16 {offsets = [4032, 126], sizes = [32, 1], strides = [1, 1]} : vector<4096x128xf32> to vector<32x1xf32>
    %slice3A_143 = vector.extract_strided_slice %dot_general3A_16 {offsets = [4064, 127], sizes = [32, 1], strides = [1, 1]} : vector<4096x128xf32> to vector<32x1xf32>
    %concatenate3A = tpu.concatenate %slice3A, %slice3A_17, %slice3A_18, %slice3A_19, %slice3A_20, %slice3A_21, %slice3A_22, %slice3A_23, %slice3A_24, %slice3A_25, %slice3A_26, %slice3A_27, %slice3A_28, %slice3A_29, %slice3A_30, %slice3A_31, %slice3A_32, %slice3A_33, %slice3A_34, %slice3A_35, %slice3A_36, %slice3A_37, %slice3A_38, %slice3A_39, %slice3A_40, %slice3A_41, %slice3A_42, %slice3A_43, %slice3A_44, %slice3A_45, %slice3A_46, %slice3A_47, %slice3A_48, %slice3A_49, %slice3A_50, %slice3A_51, %slice3A_52, %slice3A_53, %slice3A_54, %slice3A_55, %slice3A_56, %slice3A_57, %slice3A_58, %slice3A_59, %slice3A_60, %slice3A_61, %slice3A_62, %slice3A_63, %slice3A_64, %slice3A_65, %slice3A_66, %slice3A_67, %slice3A_68, %slice3A_69, %slice3A_70, %slice3A_71, %slice3A_72, %slice3A_73, %slice3A_74, %slice3A_75, %slice3A_76, %slice3A_77, %slice3A_78, %slice3A_79, %slice3A_80, %slice3A_81, %slice3A_82, %slice3A_83, %slice3A_84, %slice3A_85, %slice3A_86, %slice3A_87, %slice3A_88, %slice3A_89, %slice3A_90, %slice3A_91, %slice3A_92, %slice3A_93, %slice3A_94, %slice3A_95, %slice3A_96, %slice3A_97, %slice3A_98, %slice3A_99, %slice3A_100, %slice3A_101, %slice3A_102, %slice3A_103, %slice3A_104, %slice3A_105, %slice3A_106, %slice3A_107, %slice3A_108, %slice3A_109, %slice3A_110, %slice3A_111, %slice3A_112, %slice3A_113, %slice3A_114, %slice3A_115, %slice3A_116, %slice3A_117, %slice3A_118, %slice3A_119, %slice3A_120, %slice3A_121, %slice3A_122, %slice3A_123, %slice3A_124, %slice3A_125, %slice3A_126, %slice3A_127, %slice3A_128, %slice3A_129, %slice3A_130, %slice3A_131, %slice3A_132, %slice3A_133, %slice3A_134, %slice3A_135, %slice3A_136, %slice3A_137, %slice3A_138, %slice3A_139, %slice3A_140, %slice3A_141, %slice3A_142, %slice3A_143 in 1 : vector<32x1xf32>, vector<32x1xf32>, vector<32x1xf32>, vector<32x1xf32>, vector<32x1xf32>, vector<32x1xf32>, vector<32x1xf32>, vector<32x1xf32>, vector<32x1xf32>, vector<32x1xf32>, vector<32x1xf32>, vector<32x1xf32>, vector<32x1xf32>, vector<32x1xf32>, vector<32x1xf32>, vector<32x1xf32>, vector<32x1xf32>, vector<32x1xf32>, vector<32x1xf32>, vector<32x1xf32>, vector<32x1xf32>, vector<32x1xf32>, vector<32x1xf32>, vector<32x1xf32>, vector<32x1xf32>, vector<32x1xf32>, vector<32x1xf32>, vector<32x1xf32>, vector<32x1xf32>, vector<32x1xf32>, vector<32x1xf32>, vector<32x1xf32>, vector<32x1xf32>, vector<32x1xf32>, vector<32x1xf32>, vector<32x1xf32>, vector<32x1xf32>, vector<32x1xf32>, vector<32x1xf32>, vector<32x1xf32>, vector<32x1xf32>, vector<32x1xf32>, vector<32x1xf32>, vector<32x1xf32>, vector<32x1xf32>, vector<32x1xf32>, vector<32x1xf32>, vector<32x1xf32>, vector<32x1xf32>, vector<32x1xf32>, vector<32x1xf32>, vector<32x1xf32>, vector<32x1xf32>, vector<32x1xf32>, vector<32x1xf32>, vector<32x1xf32>, vector<32x1xf32>, vector<32x1xf32>, vector<32x1xf32>, vector<32x1xf32>, vector<32x1xf32>, vector<32x1xf32>, vector<32x1xf32>, vector<32x1xf32>, vector<32x1xf32>, vector<32x1xf32>, vector<32x1xf32>, vector<32x1xf32>, vector<32x1xf32>, vector<32x1xf32>, vector<32x1xf32>, vector<32x1xf32>, vector<32x1xf32>, vector<32x1xf32>, vector<32x1xf32>, vector<32x1xf32>, vector<32x1xf32>, vector<32x1xf32>, vector<32x1xf32>, vector<32x1xf32>, vector<32x1xf32>, vector<32x1xf32>, vector<32x1xf32>, vector<32x1xf32>, vector<32x1xf32>, vector<32x1xf32>, vector<32x1xf32>, vector<32x1xf32>, vector<32x1xf32>, vector<32x1xf32>, vector<32x1xf32>, vector<32x1xf32>, vector<32x1xf32>, vector<32x1xf32>, vector<32x1xf32>, vector<32x1xf32>, vector<32x1xf32>, vector<32x1xf32>, vector<32x1xf32>, vector<32x1xf32>, vector<32x1xf32>, vector<32x1xf32>, vector<32x1xf32>, vector<32x1xf32>, vector<32x1xf32>, vector<32x1xf32>, vector<32x1xf32>, vector<32x1xf32>, vector<32x1xf32>, vector<32x1xf32>, vector<32x1xf32>, vector<32x1xf32>, vector<32x1xf32>, vector<32x1xf32>, vector<32x1xf32>, vector<32x1xf32>, vector<32x1xf32>, vector<32x1xf32>, vector<32x1xf32>, vector<32x1xf32>, vector<32x1xf32>, vector<32x1xf32>, vector<32x1xf32>, vector<32x1xf32>, vector<32x1xf32>, vector<32x1xf32>, vector<32x1xf32>, vector<32x1xf32> -> vector<32x128xf32>
    %exp3A_144 = math.exp %concatenate3A : vector<32x128xf32>
    %reduce_sum3A_145 = arith.constant dense<0.000000e+00> : vector<128xf32>
    %reduce_sum3A_146 = vector.multi_reduction <add>, %exp3A_144, %reduce_sum3A_145 [0] : vector<32x128xf32> to vector<128xf32>
    %broadcast_in_dim3A_147 = vector.shape_cast %reduce_sum3A_146 : vector<128xf32> to vector<1x128xf32>
    %div3A = vector.broadcast %broadcast_in_dim3A_147 : vector<1x128xf32> to vector<32x128xf32>
    %div3A_148 = arith.divf %exp3A_144, %div3A : vector<32x128xf32>
    %add3A = arith.constant 9.99999996E-13 : f32
    %add3A_149 = vector.broadcast %add3A : f32 to vector<32x128xf32>
    %add3A_150 = arith.addf %div3A_148, %add3A_149 : vector<32x128xf32>
    %log3A = math.log %add3A_150 : vector<32x128xf32>
    %transpose3A = tpu.transpose %log3A, [1, 0] : vector<32x128xf32> -> vector<128x32xf32>
    %get3A_151 = arith.constant 0 : index
    %get3A_152 = arith.constant 0 : index
    %get3A_153 = vector.load %arg3[%get3A_151, %get3A_152] : memref<128x32xf32, #tpu.memory_space<vmem>>, vector<128x32xf32>
    %exp3A_154 = math.exp %get3A_153 : vector<128x32xf32>
    %reduce_sum3A_155 = arith.constant dense<0.000000e+00> : vector<128xf32>
    %reduce_sum3A_156 = vector.multi_reduction <add>, %exp3A_154, %reduce_sum3A_155 [1] : vector<128x32xf32> to vector<128xf32>
    %broadcast_in_dim3A_157 = vector.shape_cast %reduce_sum3A_156 : vector<128xf32> to vector<128x1xf32>
    %div3A_158 = vector.broadcast %broadcast_in_dim3A_157 : vector<128x1xf32> to vector<128x32xf32>
    %div3A_159 = arith.divf %exp3A_154, %div3A_158 : vector<128x32xf32>
    %add3A_160 = arith.constant 9.99999996E-13 : f32
    %add3A_161 = vector.broadcast %add3A_160 : f32 to vector<128x32xf32>
    %add3A_162 = arith.addf %div3A_159, %add3A_161 : vector<128x32xf32>
    %log3A_163 = math.log %add3A_162 : vector<128x32xf32>
    %sub3A = arith.subf %log3A_163, %transpose3A : vector<128x32xf32>
    %mul3A_164 = arith.mulf %div3A_159, %sub3A : vector<128x32xf32>
    %reduce_sum3A_165 = arith.constant dense<0.000000e+00> : vector<32xf32>
    %reduce_sum3A_166 = vector.multi_reduction <add>, %mul3A_164, %reduce_sum3A_165 [0] : vector<128x32xf32> to vector<32xf32>
    %broadcast_in_dim3A_167 = vector.shape_cast %reduce_sum3A_166 : vector<32xf32> to vector<1x32xf32>
    %reduce_sum3A_168 = arith.constant dense<0.000000e+00> : vector<1xf32>
    %reduce_sum3A_169 = vector.multi_reduction <add>, %broadcast_in_dim3A_167, %reduce_sum3A_168 [1] : vector<1x32xf32> to vector<1xf32>
    %broadcast_in_dim3A_170 = vector.shape_cast %reduce_sum3A_169 : vector<1xf32> to vector<1x1xf32>
    %eq3A = arith.constant 0 : i32
    %eq3A_171 = arith.cmpi eq, %arg0, %eq3A : i32
    %convert_element_type3A = arith.extui %eq3A_171 : i1 to i32
    %cond3A = arith.constant 0 : i32
    %cond3A_172 = arith.cmpi ne, %convert_element_type3A, %cond3A : i32
    scf.if %cond3A_172 {
      %broadcast_in_dim3A_182 = arith.constant 0.000000e+00 : f32
      %broadcast_in_dim3A_183 = vector.broadcast %broadcast_in_dim3A_182 : f32 to vector<1x1xf32>
      %swap3A_184 = arith.constant 0 : index
      %swap3A_185 = arith.constant 0 : index
      %swap3A_186 = vector.load %arg4[%swap3A_184, %swap3A_185] : memref<1x1xf32, #tpu.memory_space<vmem>>, vector<1x1xf32>
      tpu.vector_store %arg4[%swap3A_184, %swap3A_185], %broadcast_in_dim3A_183 {strides = array<i32>} : memref<1x1xf32, #tpu.memory_space<vmem>>, vector<1x1xf32>,
    } else {
    }
    %get3A_173 = arith.constant 0 : index
    %get3A_174 = arith.constant 0 : index
    %get3A_175 = vector.load %arg4[%get3A_173, %get3A_174] : memref<1x1xf32, #tpu.memory_space<vmem>>, vector<1x1xf32>
    %mul3A_176 = arith.constant 3.906250e-03 : f32
    %mul3A_177 = vector.broadcast %mul3A_176 : f32 to vector<1x1xf32>
    %mul3A_178 = arith.mulf %broadcast_in_dim3A_170, %mul3A_177 : vector<1x1xf32>
    %add3A_179 = arith.addf %get3A_175, %mul3A_178 : vector<1x1xf32>
    %swap3A = arith.constant 0 : index
    %swap3A_180 = arith.constant 0 : index
    %swap3A_181 = vector.load %arg4[%swap3A, %swap3A_180] : memref<1x1xf32, #tpu.memory_space<vmem>>, vector<1x1xf32>
    tpu.vector_store %arg4[%swap3A, %swap3A_180], %add3A_179 {strides = array<i32>} : memref<1x1xf32, #tpu.memory_space<vmem>>, vector<1x1xf32>,
    return
  }
  func.func @transform_0(%arg0: i32) -> (i32, i32) {
    %c0_i32 = arith.constant 0 : i32
    %c0_i32_0 = arith.constant 0 : i32
    return %arg0, %c0_i32 : i32, i32
  }
  func.func @transform_1(%arg0: i32) -> (i32, i32) {
    %c0_i32 = arith.constant 0 : i32
    %c0_i32_0 = arith.constant 0 : i32
    return %arg0, %c0_i32 : i32, i32
  }
  func.func @transform_2(%arg0: i32) -> (i32, i32) {
    %c0_i32 = arith.constant 0 : i32
    %c0_i32_0 = arith.constant 0 : i32
    return %arg0, %c0_i32 : i32, i32
  }
  func.func @transform_3(%arg0: i32) -> (i32, i32) {
    %c0_i32 = arith.constant 0 : i32
    %c0_i32_0 = arith.constant 0 : i32
    %c0_i32_1 = arith.constant 0 : i32
    return %c0_i32, %c0_i32_0 : i32, i32
  }
}

</mosaic_0001>

<sc_bundles>
// kernel: kernel.4.cloned.1.call-start
scs
__scs_entry_jumppad:
0x0: {  	(pc) =	sbr.rel $0x88, $3  }
0x1: {  	(tag) =	ssettag $0x0;
	lr =	simm.s32 $0x1  }
0x2: {  	[smem:$0x3F9D] =	sst lr;
	_ =	strace $0xD0000000  }
0x3: {  	_ = 	snop  }
0x4: {  	_ = 	snop  }
0x5: {  	_ = 	snop  }
0x6: {  	_ = 	snop  }
0x7: {  	_ = 	snop  }
__scs_overlays_trampoline_lowered:
0x8: {  	[smem:$0x3FAC] =	sst s0  }
0x9: {  	[smem:$0x3FAD] =	sst s1  }
0xa: {  	[smem:$0x3FAE] =	sst s2  }
0xb: {  	[smem:$0x3FAF] =	sst s3  }
0xc: {  	[smem:$0x3FB0] =	sst s4  }
0xd: {  	[smem:$0x3FB1] =	sst s5  }
0xe: {  	[smem:$0x3FB2] =	sst s6  }
0xf: {  	[smem:$0x3FB3] =	sst s7  }
0x10: {  	[smem:$0x3FB4] =	sst s8  }
0x11: {  	[smem:$0x3FB5] =	sst s9;
	s0 =	simm.s32 @!p0 $0x0  }
0x12: {  	s1 =	sld [smem:$0x3F9B];
	s0 =	simm.s32 @p0 $0x1  }
0x13: {  	[smem:$0x3FB6] =	sst s0;
	s0 =	simm.s32 @!p1 $0x0  }
0x14: {  	s2 =	sld [smem:$0x3F9A];
	s0 =	simm.s32 @p1 $0x1  }
0x15: {  	[smem:$0x3FB7] =	sst s0;
	s0 =	simm.s32 @!p2 $0x0  }
0x16: {  	s3 =	sld [smem:$0x3FDB];
	s0 =	simm.s32 @p2 $0x1  }
0x17: {  	s4 =	simm.s32 $0x1BF5;
	[smem:$0x3FB9] =	sst s0  }
0x18: {  	s0 =	sld [smem:$0x3F9C];
	_ =	swait.ge [sflag:s4], $0x0  }
0x19: {  	s7 =	sld [smem:$0x3F9D]  }
0x1a: {  	s8 =	sadd.s32 $0xFFFFE003, lr  }
0x1b: {  	s9 =	sadd.s32 $0xFFFFFEF7, lr;
	s5 =	simm.s32 $0xFFFFFFFF;
	p2 =	slt.u32 s8, $0xFFFFF086  }
0x1c: {  	p1 =	slt.u32 s9, $0xF7A;
	s5 =	simm.s32 @!p2 $0x0  }
0x1d: {  	s5 =	simm.s32 @p1 $0x1;
	p0 =	seq.s32 s7, s2  }
0x1e: {  	s7 =	smul.u32 @!p0 $0xF7A, s2;
	p2 =	seq.s32 @!p0 s5, $0x0  }
0x1f: {  	s9 =	smul.u32 $0xF7A, s1;
	s8 =	simm.s32 @!p0 $0x1BF5;
	p2 =	por !p2, p0  }
0x20: {  	[sflag:s8] =	ssyncset.s32 @!p0 $0xFFFFF086;
	s6 =	sadd.s32 @!p0 s3, s7;
	s7 =	simm.s32 @!p0 $0x108  }
0x21: {  	s3 =	sadd.s32 s3, s9;
	s6 =	sadd.s32 @!p0 $0x88, s6;
	s7 =	simm.s32 @p2 $0x1082  }
0x22: {  	[simem:s7], [sflag:s8] =	dma.local @!p0 [hbm:s6], $0xF7A  }
0x23: {  	s9 =	sor.u32 $0xD0000000, s2;
	s6 =	simm.s32 $0x108;
	_ =	swait.ge @!p0 [sflag:s8], $0x0  }
0x24: {  	s3 =	sadd.s32 $0x88, s3;
	s6 =	simm.s32 @!p1 $0x1082;
	[sflag:s4] =	ssyncset.s32 $0xFFFFF086  }
0x25: {  	[simem:s6], [sflag:s4] =	dma.local [hbm:s3], $0xF7A  }
0x26: {  	[smem:$0x3F9D] =	sst s1;
	(tag) =	ssettag s2;
	_ =	strace s9  }
0x27: {  	s1 =	sld [smem:$0x3FAD]  }
0x28: {  	s2 =	sld [smem:$0x3FAE]  }
0x29: {  	s4 =	sld [smem:$0x3FB0]  }
0x2a: {  	p0 =	seq.s32 s5, $0x0;
	s5 =	sld [smem:$0x3FB1]  }
0x2b: {  	s6 =	sld [smem:$0x3FB2]  }
0x2c: {  	s7 =	sld [smem:$0x3FB3]  }
0x2d: {  	s3 =	simm.s32 $0x108;
	s8 =	sld [smem:$0x3FB4]  }
0x2e: {  	s3 =	simm.s32 @!p0 $0x1082;
	s9 =	sld [smem:$0x3FB5]  }
0x2f: {  	lr =	sadd.s32 s0, s3;
	s0 =	sld [smem:$0x3FAC]  }
0x30: {  	s3 =	sld [smem:$0x3FAF]  }
0x31: {  	[smem:$0x3FB8] =	sst s10  }
0x32: {  	s10 =	sld [smem:$0x3FB6];
	_ =	sdelay $0x3  }
0x33: {  	p0 =	seq.s32 s10, $0x1;
	s10 =	sld [smem:$0x3FB8];
	_ =	sdelay $0x3  }
0x34: {  	[smem:$0x3FB8] =	sst s10  }
0x35: {  	s10 =	sld [smem:$0x3FB7];
	_ =	sdelay $0x3  }
0x36: {  	p1 =	seq.s32 s10, $0x1;
	s10 =	sld [smem:$0x3FB8];
	_ =	sdelay $0x3  }
0x37: {  	[smem:$0x3FB8] =	sst s10  }
0x38: {  	s10 =	sld [smem:$0x3FB9]  }
0x39: {  	_ = 	snop;
	(pc) =	sbr.ind lr, $3  }
0x3a: {  	_ = 	snop  }
0x3b: {  	_ = 	snop  }
0x3c: {  	p2 =	seq.s32 s10, $0x1;
	s10 =	sld [smem:$0x3FB8]  }
0x3d: {  	_ =	shalt  }
0x3e: {  	_ =	shalt  }
0x3f: {  	_ =	shalt  }
0x40: {  	_ =	shalt  }
0x41: {  	_ =	shalt  }
0x42: {  	_ =	shalt  }
0x43: {  	_ =	shalt  }
0x44: {  	_ =	shalt  }
0x45: {  	_ =	shalt  }
0x46: {  	_ =	shalt  }
0x47: {  	_ =	shalt  }
0x48: {  	_ =	shalt  }
0x49: {  	_ =	shalt  }
0x4a: {  	_ =	shalt  }
0x4b: {  	_ =	shalt  }
0x4c: {  	_ =	shalt  }
0x4d: {  	_ =	shalt  }
0x4e: {  	_ =	shalt  }
0x4f: {  	_ =	shalt  }
0x50: {  	_ =	shalt  }
0x51: {  	_ =	shalt  }
0x52: {  	_ =	shalt  }
0x53: {  	_ =	shalt  }
0x54: {  	_ =	shalt  }
0x55: {  	_ =	shalt  }
0x56: {  	_ =	shalt  }
0x57: {  	_ =	shalt  }
0x58: {  	_ =	shalt  }
0x59: {  	_ =	shalt  }
0x5a: {  	_ =	shalt  }
0x5b: {  	_ =	shalt  }
0x5c: {  	_ =	shalt  }
0x5d: {  	_ =	shalt  }
0x5e: {  	_ =	shalt  }
0x5f: {  	_ =	shalt  }
0x60: {  	_ =	shalt  }
0x61: {  	_ =	shalt  }
0x62: {  	_ =	shalt  }
0x63: {  	_ =	shalt  }
0x64: {  	_ =	shalt  }
0x65: {  	_ =	shalt  }
0x66: {  	_ =	shalt  }
0x67: {  	_ =	shalt  }
0x68: {  	_ =	shalt  }
0x69: {  	_ =	shalt  }
0x6a: {  	_ =	shalt  }
0x6b: {  	_ =	shalt  }
0x6c: {  	_ =	shalt  }
0x6d: {  	_ =	shalt  }
0x6e: {  	_ =	shalt  }
0x6f: {  	_ =	shalt  }
0x70: {  	_ =	shalt  }
0x71: {  	_ =	shalt  }
0x72: {  	_ =	shalt  }
0x73: {  	_ =	shalt  }
0x74: {  	_ =	shalt  }
0x75: {  	_ =	shalt  }
0x76: {  	_ =	shalt  }
0x77: {  	_ =	shalt  }
0x78: {  	_ =	shalt  }
0x79: {  	_ =	shalt  }
0x7a: {  	_ =	shalt  }
0x7b: {  	_ =	shalt  }
0x7c: {  	_ =	shalt  }
0x7d: {  	_ =	shalt  }
0x7e: {  	_ =	shalt  }
0x7f: {  	_ =	shalt  }
0x80: {  	_ =	shalt  }
0x81: {  	_ =	shalt  }
0x82: {  	_ =	shalt  }
0x83: {  	_ =	shalt  }
0x84: {  	_ =	shalt  }
0x85: {  	_ =	shalt  }
0x86: {  	_ =	shalt  }
0x87: {  	_ =	shalt  }
.Lfunc_end0:
.L_simem_size_0:
called_computation_lowered:
.L_overlay_start_0:
0x88: {  	s2 =	sld [smem:$0x3FD9]  }
0x89: {  	s3 =	sld [smem:$0x3FFE];
	_ =	sdelay $0x1  }
0x8a: {  	s1 =	srdreg.scid  }
0x8b: {  	s0 =	sand.u32 $0x1, s1  }
0x8c: {  	s17 =	sshll.u32 s0, $0xA;
	s2 =	sadd.s32 s3, s2  }
0x8d: {  	s2 =	sadd.s32 s2, s17  }
0x8e: {  	[smem:$0x3FC4] =	sst s2  }
0x8f: {  	_ = 	snop  }
0x90: {  	s2 =	sld [smem:$0x3FC9]  }
0x91: {  	s18 =	sld [smem:$0x3FC8];
	(tm) =	ssettm $0x1  }
0x92: {  	s4 =	sld [smem:$0x3FFB];
	_ =	sdelay $0x3  }
0x93: {  	_ =	strace s4  }
0x94: {  	s4 =	sld [smem:$0x3FFC];
	_ =	sdelay $0x3  }
0x95: {  	_ =	strace s4  }
0x96: {  	s4 =	sld [smem:$0x3FFD];
	_ =	sdelay $0x3  }
0x97: {  	_ =	strace s4  }
0x98: {  	_ =	strace $0x8FFFFFFF  }
0x99: {  	s19 =	sld [smem:$0x3FDB];
	_ =	sdelay $0x1  }
0x9a: {  	s5 =	simm.s32 $_scs_section_size  }
0x9b: {  	s6 =	simm.s32 $_size__tile_overlayer_lowered;
	s7 =	simm.s32 $_tile_overlayer_lowered  }
0x9c: {  	s22 =	simm.s32 $0x1BFF;
	s21 =	sshll.u32 s7, $0x1;
	s4 =	sadd.s32 s5, s19  }
0x9d: {  	s8 =	simm.s32 $0x0;
	s20 =	sshll.u32 s6, $0x1;
	s6 =	sadd.s32 s21, s4  }
0x9e: {  	[timem:s8], [sflag:s22] =	dma.local [hbm:s6], s20  }
0x9f: {  	_ =	swait.ge [sflag:s22], s20  }
0xa0: {  	s5 =	ssub.s32 $0x0, s20;
	[sflag:s22] =	ssyncset.done $0x0  }
0xa1: {  	[sflag:s22] =	ssyncadd.s32 s5;
	_ =	sdelay $0x1  }
0xa2: {  	s23 =	simm.s32 $0x1B8B  }
0xa3: {  	_ =	swait.ge [sflag:s23], $0x1  }
0xa4: {  	[sflag:s23] =	ssyncset.done $0x0  }
0xa5: {  	s25 =	simm.s32 $0x1B8E;
	s24 =	sld [smem:$0x3FFE];
	[sflag:s23] =	ssyncadd.s32 $0xFFFFFFFF  }
0xa6: {  	s26 =	simm.s32 $execute0_lowered;
	[smem:$0x3FD2] =	sst s25  }
0xa7: {  	s6 =	sshll.u32 s26, $0x1;
	_ =	strace $0x80000046;
	[dreg:$0x1] =	wrdreg $0xFFFFFFFF  }
0xa8: {  	s28 =	simm.s32 $_size_execute0_lowered;
	s4 =	sadd.s32 s4, s6;
	[dreg:$0x0] =	wrdreg $0x0  }
0xa9: {  	s6 =	sshll.u32 s28, $0x1;
	[dreg:$0x2] =	wrdreg s4  }
0xaa: {  	[dreg:$0x3] =	wrdreg s6  }
0xab: {  	[dreg:$0x4] =	wrdreg $0xC0  }
0xac: {  	_ =	task [dreg:s8], $0x5FFFF  }
0xad: {  	[dreg:$0x1] =	wrdreg $0xFFFFFFFF  }
0xae: {  	[dreg:$0x0] =	wrdreg $0x60  }
0xaf: {  	[dreg:$0x2] =	wrdreg s2  }
0xb0: {  	[dreg:$0x3] =	wrdreg s18  }
0xb1: {  	[dreg:$0x4] =	wrdreg s24  }
0xb2: {  	[dreg:$0x5] =	wrdreg $0x9  }
0xb3: {  	_ =	task.clear_ibuf [dreg:s8], $0x6FFFF;
	_ =	strace $0x90000046  }
0xb4: {  	s29 =	simm.s32 $0x9;
	_ =	strace $0x80000048  }
0xb5: {  	_ =	swait.ge [sflag:s29], $0x1  }
0xb6: {  	[sflag:s29] =	ssyncadd.s32 $0xFFFFFFFF  }
0xb7: {  	_ =	strace $0x90000048  }
0xb8: {  	_ =	sfence  }
0xb9: {  	s30 =	sld [smem:$0x0];
	_ =	sdelay $0x2  }
0xba: {  	s31 =	sshll.u32 s1, $0xD;
	s1 =	sshrl.u32 s1, $0x2  }
0xbb: {  	s3 =	sand.u32 $0x4000, s31;
	s1 =	sadd.s32 s1, s30  }
0xbc: {  	s0 =	sor.u32 s3, s0;
	s1 =	sshll.u32 s1, $0x11  }
0xbd: {  	s0 =	sor.u32 s1, s0  }
0xbe: {  	s0 =	sadd.s32 $0x8F2B, s0  }
0xbf: {  	[sflag:s0] =	ssyncadd.remote.s32 $0x1  }
0xc0: {  	_ =	sfence.sel $0xFFFF  }
0xc1: {  	[dreg:$0x0] =	wrdreg $0xFFFFFFFF;
	(pc) =	sbr.abs _section_cstart, $3  }
0xc2: {  	[dreg:$0x1] =	wrdreg $0xFFFFFFFF  }
0xc3: {  	_ =	task.clear_ibuf [dreg:s8], $0x2FFFF;
	_ =	strace $0x9FFFFFFF  }
0xc4: {  	(tm) =	ssettm $0x7FFFFFFF  }
0xc5: {  	_ =	shalt  }
tec
execute0_lowered:
.L_overlay_start_1:
0x0: {  	(tag) =	ssettag $0x1  }
0x1: {  	s2 =	rddreg [dreg:$0x0]  }
0x2: {  	s4 =	rddreg [dreg:$0x1]  }
0x3: {  	s30 =	rddreg [dreg:$0x2]  }
0x4: {  	s0 =	srdreg.scid;
	s1 =	stileid.u32  }
0x5: {  	s3 =	simm.s32 $0x0;
	s31 =	sand.u32 $0x1, s0;
	s26 =	sshll.u32 s1, $0x1  }
0x6: {  	[smem:$0x7FF] =	sst s3;
	s0 =	sor.u32 s31, s26  }
0x7: {  	_ =	strace $0x80000047;
	s5 =	sadd.s32 s4, s0;
	s4 =	simm.s32 $0x3  }
0x8: {  	[tilespmem:s3], [sflag:$0x3] =	stream.linear.gather [hbm4b:s5+s3], $0x8, $0x38;
	[tilespmem:$0x8880] =	vst v63  }
0x9: {  	_ =	swait.ge [sflag:s4], $0x8  }
0xa: {  	s7 =	simm.s32 $0x80;
	s6 =	sshll.u32 s0, $0x7;
	[sflag:s4] =	ssyncset.done $0x0  }
0xb: {  	s28 =	sadd.s32 s6, s30;
	s6 =	simm.s32 $0x8;
	[sflag:s4] =	ssyncadd.s32 $0xFFFFFFF8  }
0xc: {  	[tilespmem:s7], [sflag:$0x1] =	stream.indirect.gather [hbm4b:s2+s6], $0x80, s3, s6, $0xb8;
	[tilespmem:$0x8880] =	vst v63  }
0xd: {  	s9 =	simm.s32 $0x480;
	s8 =	sadd.s32 $0xE00, s28  }
0xe: {  	[tilespmem:s9], [sflag:$0x3] =	stream.linear.gather [hbm4b:s8+s3], $0x400, $0x38;
	[tilespmem:$0x8880] =	vst v63  }
0xf: {  	_ =	swait.ge [sflag:s4], $0x400  }
0x10: {  	[sflag:s4] =	ssyncset.done $0x0  }
0x11: {  	s10 =	simm.s32 $0x20;
	s11 =	simm.s32 $0x880;
	[sflag:s4] =	ssyncadd.s32 $0xFFFFFC00  }
0x12: {  	[tilespmem:s11], [sflag:$0x2] =	stream.indirect.gather [hbm4b:s2+s10], $0x80, s9, s10, $0xb8;
	[tilespmem:$0x8880] =	vst v63  }
0x13: {  	s12 =	simm.s32 $0x500;
	s13 =	simm.s32 $0x1880  }
0x14: {  	[tilespmem:s13], [sflag:$0x2] =	stream.indirect.gather [hbm4b:s2+s10], $0x80, s12, s10, $0xb8;
	[tilespmem:$0x8880] =	vst v63  }
0x15: {  	s14 =	simm.s32 $0x580;
	s15 =	simm.s32 $0x2880  }
0x16: {  	[tilespmem:s15], [sflag:$0x2] =	stream.indirect.gather [hbm4b:s2+s10], $0x80, s14, s10, $0xb8;
	[tilespmem:$0x8880] =	vst v63  }
0x17: {  	s16 =	simm.s32 $0x600;
	s17 =	simm.s32 $0x3880  }
0x18: {  	[tilespmem:s17], [sflag:$0x2] =	stream.indirect.gather [hbm4b:s2+s10], $0x80, s16, s10, $0xb8;
	[tilespmem:$0x8880] =	vst v63  }
0x19: {  	s18 =	simm.s32 $0x680;
	s19 =	simm.s32 $0x4880  }
0x1a: {  	[tilespmem:s19], [sflag:$0x2] =	stream.indirect.gather [hbm4b:s2+s10], $0x80, s18, s10, $0xb8;
	[tilespmem:$0x8880] =	vst v63  }
0x1b: {  	s20 =	simm.s32 $0x700;
	s21 =	simm.s32 $0x5880  }
0x1c: {  	[tilespmem:s21], [sflag:$0x2] =	stream.indirect.gather [hbm4b:s2+s10], $0x80, s20, s10, $0xb8;
	[tilespmem:$0x8880] =	vst v63  }
0x1d: {  	s22 =	simm.s32 $0x780;
	s23 =	simm.s32 $0x6880  }
0x1e: {  	[tilespmem:s23], [sflag:$0x2] =	stream.indirect.gather [hbm4b:s2+s10], $0x80, s22, s10, $0xb8;
	[tilespmem:$0x8880] =	vst v63  }
0x1f: {  	s24 =	simm.s32 $0x800;
	s25 =	simm.s32 $0x7880;
	s26 =	simm.s32 $0x1  }
0x20: {  	[tilespmem:s25], [sflag:$0x2] =	stream.indirect.gather [hbm4b:s2+s10], $0x80, s24, s10, $0xb8;
	[tilespmem:$0x8880] =	vst v63  }
0x21: {  	_ =	swait.ge [sflag:s26], $0x400  }
0x22: {  	[sflag:s26] =	ssyncset.done $0x0  }
0x23: {  	s28 =	sadd.s32 $0x21E00, s28;
	[sflag:s26] =	ssyncadd.s32 $0xFFFFFC00  }
0x24: {  	[hbm4b:s28+s3] =	stream.linear.scatter [tilespmem:s7], [sflag:$0x3], $0x400, $0x38;
	[tilespmem:$0x8880] =	vst v63  }
0x25: {  	_ =	swait.ge [sflag:s4], $0x400  }
0x26: {  	[sflag:s4] =	ssyncset.done $0x0  }
0x27: {  	s29 =	simm.s32 $0x2;
	[sflag:s4] =	ssyncadd.s32 $0xFFFFFC00  }
0x28: {  	_ =	swait.ge [sflag:s29], $0x1000  }
0x29: {  	[sflag:s29] =	ssyncset.done $0x0  }
0x2a: {  	[sflag:s29] =	ssyncadd.s32 $0xFFFFF000  }
0x2b: {  	_ =	swait.ge [sflag:s29], $0x1000  }
0x2c: {  	[sflag:s29] =	ssyncset.done $0x0  }
0x2d: {  	[sflag:s29] =	ssyncadd.s32 $0xFFFFF000  }
0x2e: {  	_ =	swait.ge [sflag:s29], $0x1000  }
0x2f: {  	[sflag:s29] =	ssyncset.done $0x0  }
0x30: {  	[sflag:s29] =	ssyncadd.s32 $0xFFFFF000  }
0x31: {  	_ =	swait.ge [sflag:s29], $0x1000  }
0x32: {  	[sflag:s29] =	ssyncset.done $0x0  }
0x33: {  	[sflag:s29] =	ssyncadd.s32 $0xFFFFF000  }
0x34: {  	_ =	swait.ge [sflag:s29], $0x1000  }
0x35: {  	[sflag:s29] =	ssyncset.done $0x0  }
0x36: {  	[sflag:s29] =	ssyncadd.s32 $0xFFFFF000  }
0x37: {  	_ =	swait.ge [sflag:s29], $0x1000  }
0x38: {  	[sflag:s29] =	ssyncset.done $0x0  }
0x39: {  	s31 =	ssub.s32 $0x2, s31;
	[sflag:s29] =	ssyncadd.s32 $0xFFFFF000  }
0x3a: {  	s1 =	sshrl.u32 s31, $0x1;
	_ =	swait.ge [sflag:s29], $0x1000  }
0x3b: {  	s1 =	ssub.s32 s31, s1;
	[sflag:s29] =	ssyncset.done $0x0  }
0x3c: {  	s1 =	smax.u32 s1, $0x1;
	[sflag:s29] =	ssyncadd.s32 $0xFFFFF000  }
0x3d: {  	s0 =	sshll.u32 s0, $0xC;
	p0 =	sne.s32 s1, $0x1;
	_ =	swait.ge [sflag:s29], $0x1000  }
.Ltmp0:
0x3e: {  	s0 =	sadd.s32 s0, s30;
	[sflag:s29] =	ssyncset.done $0x0;
	(pc) =	sbr.rel @!p0 .LBB2_2-.Ltmp0, $4  }
0x3f: {  	s30 =	sadd.s32 $0x1E00, s0;
	[sflag:s29] =	ssyncadd.s32 $0xFFFFF000  }
0x40: {  	[hbm4b:s30+s3] =	stream.linear.scatter [tilespmem:s11], [sflag:$0x3], $0x8000, $0x38;
	[tilespmem:$0x8880] =	vst v63  }
0x41: {  	_ =	swait.ge [sflag:s4], $0x8000  }
0x42: {  	s31 =	sadd.s32 $0xFFFFFFFF, s1;
	[sflag:s4] =	ssyncset.done $0x0  }
.LBB2_1:
0x43: {  	p0 =	sne.s32 s31, $0x1;
	s31 =	sadd.s32 $0xFFFFFFFF, s31;
	[sflag:s4] =	ssyncadd.s32 $0xFFFF8000  }
0x44: {  	[tilespmem:s3], [sflag:$0x3] =	stream.linear.gather [hbm4b:s5+s3], $0x8, $0x38;
	[tilespmem:$0x8880] =	vst v63  }
0x45: {  	_ =	swait.ge [sflag:s4], $0x8  }
0x46: {  	[sflag:s4] =	ssyncset.done $0x0  }
0x47: {  	[sflag:s4] =	ssyncadd.s32 $0xFFFFFFF8  }
0x48: {  	[tilespmem:s7], [sflag:$0x1] =	stream.indirect.gather [hbm4b:s2+s6], $0x80, s3, s6, $0xb8;
	[tilespmem:$0x8880] =	vst v63  }
0x49: {  	_ = 	snop  }
0x4a: {  	[tilespmem:s9], [sflag:$0x3] =	stream.linear.gather [hbm4b:s8+s3], $0x400, $0x38;
	[tilespmem:$0x8880] =	vst v63  }
0x4b: {  	_ =	swait.ge [sflag:s4], $0x400  }
0x4c: {  	[sflag:s4] =	ssyncset.done $0x0  }
0x4d: {  	[sflag:s4] =	ssyncadd.s32 $0xFFFFFC00  }
0x4e: {  	[tilespmem:s11], [sflag:$0x2] =	stream.indirect.gather [hbm4b:s2+s10], $0x80, s9, s10, $0xb8;
	[tilespmem:$0x8880] =	vst v63  }
0x4f: {  	_ = 	snop  }
0x50: {  	[tilespmem:s13], [sflag:$0x2] =	stream.indirect.gather [hbm4b:s2+s10], $0x80, s12, s10, $0xb8;
	[tilespmem:$0x8880] =	vst v63  }
0x51: {  	_ = 	snop  }
0x52: {  	[tilespmem:s15], [sflag:$0x2] =	stream.indirect.gather [hbm4b:s2+s10], $0x80, s14, s10, $0xb8;
	[tilespmem:$0x8880] =	vst v63  }
0x53: {  	_ = 	snop  }
0x54: {  	[tilespmem:s17], [sflag:$0x2] =	stream.indirect.gather [hbm4b:s2+s10], $0x80, s16, s10, $0xb8;
	[tilespmem:$0x8880] =	vst v63  }
0x55: {  	_ = 	snop  }
0x56: {  	[tilespmem:s19], [sflag:$0x2] =	stream.indirect.gather [hbm4b:s2+s10], $0x80, s18, s10, $0xb8;
	[tilespmem:$0x8880] =	vst v63  }
0x57: {  	_ = 	snop  }
0x58: {  	[tilespmem:s21], [sflag:$0x2] =	stream.indirect.gather [hbm4b:s2+s10], $0x80, s20, s10, $0xb8;
	[tilespmem:$0x8880] =	vst v63  }
0x59: {  	_ = 	snop  }
0x5a: {  	[tilespmem:s23], [sflag:$0x2] =	stream.indirect.gather [hbm4b:s2+s10], $0x80, s22, s10, $0xb8;
	[tilespmem:$0x8880] =	vst v63  }
0x5b: {  	_ = 	snop  }
0x5c: {  	[tilespmem:s25], [sflag:$0x2] =	stream.indirect.gather [hbm4b:s2+s10], $0x80, s24, s10, $0xb8;
	[tilespmem:$0x8880] =	vst v63  }
0x5d: {  	_ =	swait.ge [sflag:s26], $0x400  }
0x5e: {  	[sflag:s26] =	ssyncset.done $0x0  }
0x5f: {  	[sflag:s26] =	ssyncadd.s32 $0xFFFFFC00  }
0x60: {  	[hbm4b:s28+s3] =	stream.linear.scatter [tilespmem:s7], [sflag:$0x3], $0x400, $0x38;
	[tilespmem:$0x8880] =	vst v63  }
0x61: {  	_ =	swait.ge [sflag:s4], $0x400  }
0x62: {  	[sflag:s4] =	ssyncset.done $0x0  }
0x63: {  	[sflag:s4] =	ssyncadd.s32 $0xFFFFFC00  }
0x64: {  	_ =	swait.ge [sflag:s29], $0x1000  }
0x65: {  	[sflag:s29] =	ssyncset.done $0x0  }
0x66: {  	[sflag:s29] =	ssyncadd.s32 $0xFFFFF000  }
0x67: {  	_ =	swait.ge [sflag:s29], $0x1000  }
0x68: {  	[sflag:s29] =	ssyncset.done $0x0  }
0x69: {  	[sflag:s29] =	ssyncadd.s32 $0xFFFFF000  }
0x6a: {  	_ =	swait.ge [sflag:s29], $0x1000  }
0x6b: {  	[sflag:s29] =	ssyncset.done $0x0  }
0x6c: {  	[sflag:s29] =	ssyncadd.s32 $0xFFFFF000  }
0x6d: {  	_ =	swait.ge [sflag:s29], $0x1000  }
0x6e: {  	[sflag:s29] =	ssyncset.done $0x0  }
0x6f: {  	[sflag:s29] =	ssyncadd.s32 $0xFFFFF000  }
0x70: {  	_ =	swait.ge [sflag:s29], $0x1000  }
0x71: {  	[sflag:s29] =	ssyncset.done $0x0  }
0x72: {  	[sflag:s29] =	ssyncadd.s32 $0xFFFFF000  }
0x73: {  	_ =	swait.ge [sflag:s29], $0x1000  }
0x74: {  	[sflag:s29] =	ssyncset.done $0x0  }
0x75: {  	[sflag:s29] =	ssyncadd.s32 $0xFFFFF000  }
0x76: {  	_ =	swait.ge [sflag:s29], $0x1000  }
0x77: {  	[sflag:s29] =	ssyncset.done $0x0  }
0x78: {  	[sflag:s29] =	ssyncadd.s32 $0xFFFFF000  }
0x79: {  	_ =	swait.ge [sflag:s29], $0x1000  }
.Ltmp1:
0x7a: {  	[sflag:s29] =	ssyncset.done $0x0;
	(pc) =	sbr.rel @p0 .LBB2_1-.Ltmp1, $4  }
0x7b: {  	[sflag:s29] =	ssyncadd.s32 $0xFFFFF000  }
0x7c: {  	[hbm4b:s30+s3] =	stream.linear.scatter [tilespmem:s11], [sflag:$0x3], $0x8000, $0x38;
	[tilespmem:$0x8880] =	vst v63  }
0x7d: {  	_ =	swait.ge [sflag:s4], $0x8000  }
0x7e: {  	[sflag:s4] =	ssyncset.done $0x0  }
.LBB2_2:
0x7f: {  	[sflag:s4] =	ssyncadd.s32 $0xFFFF8000  }
0x80: {  	_ =	sfence.sel $0x180000  }
0x81: {  	[bflag:$0x0] =	sbarrier.arrive $0xFFFF  }
0x82: {  	_ =	strace $0x90000047  }
0x83: {  	s0 =	stileid.u32;
	[bflag:$0x2] =	sbarrier.arrive $0xFFFF  }
0x84: {  	p0 =	sne.s32 s0, $0x0;
	s0 =	rddreg [dreg:$0x3]  }
0x85: {  	s0 =	sadd.s32 @!p0 $0x100000, s0  }
0x86: {  	[sflag:s0] =	ssyncadd.tile.s32 @!p0 $0x1;
	_ =	shalt  }
.Lfunc_end2:
_tile_overlayer_lowered:
.L_overlay_start_2:
0x87: {  	(tag) =	ssettag $0x2  }
0x88: {  	s0 =	rddreg [dreg:$0x0];
	s2 =	stileid.u32  }
0x89: {  	s1 =	rddreg [dreg:$0x1];
	p0 =	sne.s32 s2, $0x0  }
0x8a: {  	s3 =	rddreg [dreg:$0x2];
	[bflag:$0x3] =	sbarrier.arrive $0xFFFF;
	s2 =	simm.s32 @!p0 $0x1C03  }
0x8b: {  	[timem:s3], [sflag:s2] =	dma.local @!p0 [hbm:s0], s1  }
0x8c: {  	s0 =	simm.s32 @!p0 $0x3  }
0x8d: {  	_ =	swait.ge @!p0 [sflag:s0], s1  }
0x8e: {  	s1 =	ssub.s32 @!p0 $0x0, s1;
	[sflag:s0] =	ssyncset.done @!p0 $0x0  }
0x8f: {  	[sflag:s0] =	ssyncadd.s32 @!p0 s1  }
0x90: {  	[bflag:$0x3] =	sbarrier.arrive $0xFFFF  }
0x91: {  	_ =	shalt  }

</sc_bundles>
